<compile_context>
chip_gen: v7x
topology: tpu7x:2x2x1
jax: 0.10.2.dev20260603
libtpu: 0.0.44.dev20260713+nightly
codegen_flags: <defaults>
</compile_context>

<pallas_src>
import functools

import jax
import jax.numpy as jnp
from jax import lax
from jax.experimental import pallas as pl
from jax.experimental.pallas import tpu as pltpu
from jax.experimental.pallas import tpu_sc as plsc

_NW = 32


def _make_mesh():
    return plsc.VectorSubcoreMesh(core_axis_name="c", subcore_axis_name="s")


def _transpose_body(a_ref, b_ref, out_ref):
    D = a_ref.shape[0]
    out_ref[:, 0:D] = a_ref[...].T
    out_ref[:, D:2 * D] = b_ref[...].T


def _tc_transpose(tt, V, D, H, BLKV=8192):
    grid = H // BLKV
    last_blk = (V - 1) // BLKV

    return pl.pallas_call(
        _transpose_body,
        grid=(grid,),
        in_specs=[
            pl.BlockSpec((D, BLKV), lambda i: (0, i)),
            pl.BlockSpec((D, BLKV), lambda i: (0, jnp.minimum(grid + i, last_blk))),
        ],
        out_specs=pl.BlockSpec((BLKV, 2 * D), lambda i: (i, 0)),
        out_shape=jax.ShapeDtypeStruct((H, 2 * D), jnp.float32),
        compiler_params=pltpu.CompilerParams(
            dimension_semantics=("parallel",)
        ),
    )(tt, tt)


def _chunks_of_L(L):
    chunks = []
    off = 0
    while off < L:
        size = min(128, L - off)
        if L - off > 128:
            size -= size % 8
        chunks.append((off, size))
        off += size
    return chunks


def _make_sc_sum(B, L, V, D):
    assert B % _NW == 0
    dpw = B // _NW
    assert (dpw * L) % 8 == 0 and (L % 8) == 0
    chunks = _chunks_of_L(L)
    n_groups = D // 16
    mesh = _make_mesh()
    NC = mesh.num_cores

    @functools.partial(
        pl.kernel,
        out_type=jax.ShapeDtypeStruct((B, D), jnp.float32),
        mesh=mesh,
        compiler_params=pltpu.CompilerParams(use_tc_tiling_on_sc=False),
        scratch_types=[
            pltpu.VMEM((dpw * L,), jnp.int32),
            pltpu.VMEM((L, D), jnp.float32),
            pltpu.VMEM((L, D), jnp.float32),
            pltpu.VMEM((dpw, D), jnp.float32),
            pltpu.SemaphoreType.DMA,
            pltpu.SemaphoreType.DMA,
        ],
    )
    def sc_sum(tokens_hbm, table_hbm, out_hbm, idx_v, buf_a, buf_b, outblk,
               sem_a, sem_b):
        wid = lax.axis_index("s") * NC + lax.axis_index("c")
        base_doc = wid * dpw

        pltpu.sync_copy(tokens_hbm.at[pl.ds(base_doc * L, dpw * L)], idx_v)

        def gather_start(d, buf, sem):
            off = d * L
            for c_off, c_sz in chunks:
                pltpu.async_copy(
                    table_hbm.at[idx_v.at[pl.ds(off + c_off, c_sz)]],
                    buf.at[pl.ds(c_off, c_sz)],
                    sem,
                )

        def gather_wait(buf, sem):
            for c_off, c_sz in chunks:
                pltpu.make_async_copy(
                    table_hbm.at[idx_v.at[pl.ds(c_off, c_sz)]],
                    buf.at[pl.ds(c_off, c_sz)],
                    sem,
                ).wait()

        UNROLL = 8
        assert L % UNROLL == 0

        def reduce_doc(buf, d):
            zero = jnp.zeros((16,), jnp.float32)

            def body(t0, accs):
                accs = list(accs)
                for j in range(UNROLL):
                    t = t0 * UNROLL + j
                    for g in range(n_groups):
                        accs[g] = accs[g] + buf[t, pl.ds(g * 16, 16)]
                return tuple(accs)

            accs = lax.fori_loop(0, L // UNROLL, body, (zero,) * n_groups)
            for g in range(n_groups):
                outblk[d, pl.ds(g * 16, 16)] = accs[g]

        gather_start(0, buf_a, sem_a)

        def pair_body(i, _):
            d0 = 2 * i
            gather_start(d0 + 1, buf_b, sem_b)
            gather_wait(buf_a, sem_a)
            reduce_doc(buf_a, d0)

            @pl.when(d0 + 2 < dpw)
            def _():
                gather_start(d0 + 2, buf_a, sem_a)

            gather_wait(buf_b, sem_b)
            reduce_doc(buf_b, d0 + 1)
            return 0

        lax.fori_loop(0, dpw // 2, pair_body, 0)

        pltpu.sync_copy(outblk, out_hbm.at[pl.ds(base_doc, dpw)])

    return sc_sum


def _linear_body(sums_ref, len_ref, w_ref, b_ref, out_ref):
    inv = 1.0 / jnp.maximum(len_ref[...], 1).astype(jnp.float32)
    emb = sums_ref[...] * inv
    out_ref[...] = (
        jnp.dot(emb, w_ref[...], preferred_element_type=jnp.float32) + b_ref[...]
    )


def _tc_linear(sums, lens2d, W, b2d, BLK=512):
    B, D = sums.shape
    NL = W.shape[1]
    return pl.pallas_call(
        _linear_body,
        grid=(B // BLK,),
        in_specs=[
            pl.BlockSpec((BLK, D), lambda i: (i, 0)),
            pl.BlockSpec((BLK, 1), lambda i: (i, 0)),
            pl.BlockSpec((D, NL), lambda i: (0, 0)),
            pl.BlockSpec((1, NL), lambda i: (0, 0)),
        ],
        out_specs=pl.BlockSpec((BLK, NL), lambda i: (i, 0)),
        out_shape=jax.ShapeDtypeStruct((B, NL), jnp.float32),
    )(sums, lens2d, W, b2d)


@jax.jit
def kernel(doc_token, doc_token_len, token_table, W, b):
    B, L = doc_token.shape
    V, D = token_table.shape
    sc_sum = _make_sc_sum(B, L, V, D)

    H = 524288
    tt = token_table.T
    table2 = _tc_transpose(tt, V, D, H)
    table_rm = table2.reshape(2 * H, D)

    tok = doc_token.reshape(-1).astype(jnp.int32)
    tokens = jnp.where(tok < H, 2 * tok, 2 * (tok - H) + 1)
    sums = sc_sum(tokens, table_rm)
    lens2d = doc_token_len.reshape(B, 1)
    b2d = b.reshape(1, -1)
    return _tc_linear(sums, lens2d, W, b2d)

# --- scband reference (transcript-rebuilt; emitter-appended) ---
"""Pipeline reference for scband-fast-text-43825846288623 (READ-ONLY COPY).

The authoritative reference and input builder live on the scoring server;
editing this copy changes nothing except your own understanding.
"""

import jax, jax.numpy as jnp
import numpy as np

B = 4096
L = 200
VOCAB = 1000000
D = 64
NUM_LABELS = 512

def setup_inputs(seed: int = 0) -> dict:
    key = jax.random.key(seed)
    k1, k2, k3, k4, k5 = jax.random.split(key, 5)
    doc_token = jax.random.randint(k1, (B, L), 0, VOCAB, dtype=jnp.int64) if jax.config.jax_enable_x64 else jax.random.randint(k1, (B, L), 0, VOCAB).astype(jnp.int32)
    doc_token_len = jax.random.randint(k2, (B,), 0, L).astype(jnp.int32)
    token_table = jax.random.normal(k3, (VOCAB, D), dtype=jnp.float32)
    W = jax.random.normal(k4, (D, NUM_LABELS), dtype=jnp.float32) * 0.02
    b = jax.random.normal(k5, (NUM_LABELS,), dtype=jnp.float32) * 0.02
    return {"doc_token": doc_token, "doc_token_len": doc_token_len, "token_table": token_table, "W": W, "b": b}

def reference(doc_token, doc_token_len, token_table, W, b):
    # EmbeddingBag(mode=SUM): gather embeddings for each token and sum per doc
    emb = jnp.take(token_table, doc_token, axis=0)   # [B, L, D]
    doc_embedding = jnp.sum(emb, axis=1)              # [B, D]
    # divide by document length (clamped to avoid div-by-zero, matching padding semantics)
    length = jnp.maximum(doc_token_len, 1).astype(jnp.float32)[:, None]
    doc_embedding = doc_embedding / length
    # dropout p=0.0 -> identity; final linear classifier
    logits = doc_embedding @ W + b                    # [B, NUM_LABELS]
    return logits

if __name__ == "__main__":
    import jax
    _d = setup_inputs()
    print(jax.jit(kernel)(*tuple(_d.values())))

</pallas_src>

<mosaic_0001>
#map = affine_map<(d0, d1) -> (0)>
#map1 = affine_map<(d0, d1) -> (0, 0)>
module attributes {stable_mosaic.version = 14 : i64} {
  func.func @sc_sum(%arg0: i32, %arg1: i32, %arg2: memref<819200xi32, #tpu.memory_space<hbm>>, %arg3: memref<1048576x64xf32, #tpu.memory_space<hbm>>, %arg4: memref<4096x64xf32, #tpu.memory_space<hbm>>, %arg5: memref<25600xi32, #tpu.memory_space<vmem>>, %arg6: memref<200x64xf32, #tpu.memory_space<vmem>>, %arg7: memref<200x64xf32, #tpu.memory_space<vmem>>, %arg8: memref<128x64xf32, #tpu.memory_space<vmem>>, %arg9: memref<!tpu.dma_semaphore, #tpu.memory_space<semaphore_mem>>, %arg10: memref<!tpu.dma_semaphore, #tpu.memory_space<semaphore_mem>>) attributes {dimension_semantics = [#tpu.dimension_semantics<core_parallel>, #tpu.dimension_semantics<subcore_parallel>], iteration_bounds = array<i64: 2, 16>, scalar_prefetch = 0 : i64, scratch_operands = 6 : i64, tpu.core_type = #tpu.core_type<sc_vector_subcore>, window_params = [{transform_indices = #map}, {transform_indices = #map1}, {transform_indices = #map1}]} {
    %mul3A = arith.constant 2 : i32
    %mul3A_0 = arith.muli %arg1, %mul3A : i32
    %add3A = arith.addi %mul3A_0, %arg0 : i32
    %mul3A_1 = arith.constant 128 : i32
    %mul3A_2 = arith.muli %add3A, %mul3A_1 : i32
    %mul3A_3 = arith.constant 200 : i32
    %mul3A_4 = arith.muli %mul3A_2, %mul3A_3 : i32
    "tpu.region"() ({
      %run_scoped3A = tpu.sem_alloc : memref<!tpu.dma_semaphore, #tpu.memory_space<semaphore_mem>>
      %dma_start3A_26 = tpu.memref_slice %arg2[%mul3A_4] : memref<819200xi32, #tpu.memory_space<hbm>> -> memref<25600xi32, #tpu.memory_space<hbm>>
      %dma_start3A_27 = tpu.memref_slice %arg2[%mul3A_4] : memref<819200xi32, #tpu.memory_space<hbm>> -> memref<25600xi32, #tpu.memory_space<hbm>>
      tpu.enqueue_dma source(%dma_start3A_27 : memref<25600xi32, #tpu.memory_space<hbm>>) target(%arg5 : memref<25600xi32, #tpu.memory_space<vmem>>) target_semaphore(%run_scoped3A : memref<!tpu.dma_semaphore, #tpu.memory_space<semaphore_mem>>)
      %dma_wait3A = tpu.memref_slice %arg2[%mul3A_4] : memref<819200xi32, #tpu.memory_space<hbm>> -> memref<25600xi32, #tpu.memory_space<hbm>>
      %dma_wait3A_28 = tpu.memref_slice %arg2[%mul3A_4] : memref<819200xi32, #tpu.memory_space<hbm>> -> memref<25600xi32, #tpu.memory_space<hbm>>
      tpu.wait_dma2 semaphore(%run_scoped3A : memref<!tpu.dma_semaphore, #tpu.memory_space<semaphore_mem>>) src(%dma_wait3A_28 : memref<25600xi32, #tpu.memory_space<hbm>>) dst(%arg5 : memref<25600xi32, #tpu.memory_space<vmem>>)
      tpu.yield
    }) : () -> ()
    %dma_start3A = arith.constant 0 : i32
    %dma_start3A_5 = arith.constant 0 : i32
    %dma_start3A_6 = tpu.memref_slice %arg6[%dma_start3A, %dma_start3A_5] : memref<200x64xf32, #tpu.memory_space<vmem>> -> memref<128x64xf32, #tpu.memory_space<vmem>>
    %dma_start3A_7 = arith.constant 0 : i32
    %dma_start3A_8 = tpu.memref_slice %arg5[%dma_start3A_7] : memref<25600xi32, #tpu.memory_space<vmem>> -> memref<128xi32, #tpu.memory_space<vmem>>
    %dma_start3A_9 = arith.constant 0 : i32
    %dma_start3A_10 = arith.constant 0 : i32
    %dma_start3A_11 = tpu.memref_slice %arg3[%dma_start3A_9, %dma_start3A_10] : memref<1048576x64xf32, #tpu.memory_space<hbm>> -> memref<1048576x64xf32, #tpu.memory_space<hbm>>
    tpu.enqueue_indirect_dma source(%dma_start3A_11 : memref<1048576x64xf32, #tpu.memory_space<hbm>>) target(%dma_start3A_6 : memref<128x64xf32, #tpu.memory_space<vmem>>) offsets(%dma_start3A_8 : memref<128xi32, #tpu.memory_space<vmem>>) semaphore(%arg9 : memref<!tpu.dma_semaphore, #tpu.memory_space<semaphore_mem>>)
    %dma_start3A_12 = arith.constant 128 : i32
    %dma_start3A_13 = arith.constant 0 : i32
    %dma_start3A_14 = tpu.memref_slice %arg6[%dma_start3A_12, %dma_start3A_13] : memref<200x64xf32, #tpu.memory_space<vmem>> -> memref<72x64xf32, #tpu.memory_space<vmem>>
    %dma_start3A_15 = arith.constant 128 : i32
    %dma_start3A_16 = tpu.memref_slice %arg5[%dma_start3A_15] : memref<25600xi32, #tpu.memory_space<vmem>> -> memref<72xi32, #tpu.memory_space<vmem>>
    %dma_start3A_17 = arith.constant 0 : i32
    %dma_start3A_18 = arith.constant 0 : i32
    %dma_start3A_19 = tpu.memref_slice %arg3[%dma_start3A_17, %dma_start3A_18] : memref<1048576x64xf32, #tpu.memory_space<hbm>> -> memref<1048576x64xf32, #tpu.memory_space<hbm>>
    tpu.enqueue_indirect_dma source(%dma_start3A_19 : memref<1048576x64xf32, #tpu.memory_space<hbm>>) target(%dma_start3A_14 : memref<72x64xf32, #tpu.memory_space<vmem>>) offsets(%dma_start3A_16 : memref<72xi32, #tpu.memory_space<vmem>>) semaphore(%arg9 : memref<!tpu.dma_semaphore, #tpu.memory_space<semaphore_mem>>)
    %scan3A = arith.constant 0 : i32
    %scan3A_20 = arith.constant 0 : i32
    %scan3A_21 = arith.constant 64 : i32
    %scan3A_22 = arith.addi %scan3A_20, %scan3A_21 : i32
    %scan3A_23 = arith.constant 1 : i32
    %scan3A_24 = scf.for %scan3A_26 = %scan3A_20 to %scan3A_22 step %scan3A_23 iter_args(%scan3A_27 = %scan3A) -> (i32)  : i32 {
      %mul3A_28 = arith.constant 2 : i32
      %mul3A_29 = arith.muli %mul3A_28, %scan3A_26 : i32
      %add3A_30 = arith.constant 1 : i32
      %add3A_31 = arith.addi %mul3A_29, %add3A_30 : i32
      %mul3A_32 = arith.constant 200 : i32
      %mul3A_33 = arith.muli %add3A_31, %mul3A_32 : i32
      %add3A_34 = arith.constant 0 : i32
      %add3A_35 = arith.addi %mul3A_33, %add3A_34 : i32
      %dma_start3A_36 = arith.constant 0 : i32
      %dma_start3A_37 = arith.constant 0 : i32
      %dma_start3A_38 = tpu.memref_slice %arg7[%dma_start3A_36, %dma_start3A_37] : memref<200x64xf32, #tpu.memory_space<vmem>> -> memref<128x64xf32, #tpu.memory_space<vmem>>
      %dma_start3A_39 = tpu.memref_slice %arg5[%add3A_35] : memref<25600xi32, #tpu.memory_space<vmem>> -> memref<128xi32, #tpu.memory_space<vmem>>
      %dma_start3A_40 = arith.constant 0 : i32
      %dma_start3A_41 = arith.constant 0 : i32
      %dma_start3A_42 = tpu.memref_slice %arg3[%dma_start3A_40, %dma_start3A_41] : memref<1048576x64xf32, #tpu.memory_space<hbm>> -> memref<1048576x64xf32, #tpu.memory_space<hbm>>
      tpu.enqueue_indirect_dma source(%dma_start3A_42 : memref<1048576x64xf32, #tpu.memory_space<hbm>>) target(%dma_start3A_38 : memref<128x64xf32, #tpu.memory_space<vmem>>) offsets(%dma_start3A_39 : memref<128xi32, #tpu.memory_space<vmem>>) semaphore(%arg10 : memref<!tpu.dma_semaphore, #tpu.memory_space<semaphore_mem>>)
      %add3A_43 = arith.constant 128 : i32
      %add3A_44 = arith.addi %mul3A_33, %add3A_43 : i32
      %dma_start3A_45 = arith.constant 128 : i32
      %dma_start3A_46 = arith.constant 0 : i32
      %dma_start3A_47 = tpu.memref_slice %arg7[%dma_start3A_45, %dma_start3A_46] : memref<200x64xf32, #tpu.memory_space<vmem>> -> memref<72x64xf32, #tpu.memory_space<vmem>>
      %dma_start3A_48 = tpu.memref_slice %arg5[%add3A_44] : memref<25600xi32, #tpu.memory_space<vmem>> -> memref<72xi32, #tpu.memory_space<vmem>>
      %dma_start3A_49 = arith.constant 0 : i32
      %dma_start3A_50 = arith.constant 0 : i32
      %dma_start3A_51 = tpu.memref_slice %arg3[%dma_start3A_49, %dma_start3A_50] : memref<1048576x64xf32, #tpu.memory_space<hbm>> -> memref<1048576x64xf32, #tpu.memory_space<hbm>>
      tpu.enqueue_indirect_dma source(%dma_start3A_51 : memref<1048576x64xf32, #tpu.memory_space<hbm>>) target(%dma_start3A_47 : memref<72x64xf32, #tpu.memory_space<vmem>>) offsets(%dma_start3A_48 : memref<72xi32, #tpu.memory_space<vmem>>) semaphore(%arg10 : memref<!tpu.dma_semaphore, #tpu.memory_space<semaphore_mem>>)
      %dma_wait3A = arith.constant 0 : i32
      %dma_wait3A_52 = arith.constant 0 : i32
      %dma_wait3A_53 = tpu.memref_slice %arg6[%dma_wait3A, %dma_wait3A_52] : memref<200x64xf32, #tpu.memory_space<vmem>> -> memref<128x64xf32, #tpu.memory_space<vmem>>
      %dma_wait3A_54 = arith.constant 0 : i32
      %dma_wait3A_55 = tpu.memref_slice %arg5[%dma_wait3A_54] : memref<25600xi32, #tpu.memory_space<vmem>> -> memref<128xi32, #tpu.memory_space<vmem>>
      %dma_wait3A_56 = arith.constant 0 : i32
      %dma_wait3A_57 = arith.constant 0 : i32
      %dma_wait3A_58 = tpu.memref_slice %arg3[%dma_wait3A_56, %dma_wait3A_57] : memref<1048576x64xf32, #tpu.memory_space<hbm>> -> memref<1048576x64xf32, #tpu.memory_space<hbm>>
      tpu.wait_indirect_dma semaphore(%arg9 : memref<!tpu.dma_semaphore, #tpu.memory_space<semaphore_mem>>) src(%dma_wait3A_58 : memref<1048576x64xf32, #tpu.memory_space<hbm>>) dst(%dma_wait3A_53 : memref<128x64xf32, #tpu.memory_space<vmem>>)
      %dma_wait3A_59 = arith.constant 128 : i32
      %dma_wait3A_60 = arith.constant 0 : i32
      %dma_wait3A_61 = tpu.memref_slice %arg6[%dma_wait3A_59, %dma_wait3A_60] : memref<200x64xf32, #tpu.memory_space<vmem>> -> memref<72x64xf32, #tpu.memory_space<vmem>>
      %dma_wait3A_62 = arith.constant 128 : i32
      %dma_wait3A_63 = tpu.memref_slice %arg5[%dma_wait3A_62] : memref<25600xi32, #tpu.memory_space<vmem>> -> memref<72xi32, #tpu.memory_space<vmem>>
      %dma_wait3A_64 = arith.constant 0 : i32
      %dma_wait3A_65 = arith.constant 0 : i32
      %dma_wait3A_66 = tpu.memref_slice %arg3[%dma_wait3A_64, %dma_wait3A_65] : memref<1048576x64xf32, #tpu.memory_space<hbm>> -> memref<1048576x64xf32, #tpu.memory_space<hbm>>
      tpu.wait_indirect_dma semaphore(%arg9 : memref<!tpu.dma_semaphore, #tpu.memory_space<semaphore_mem>>) src(%dma_wait3A_66 : memref<1048576x64xf32, #tpu.memory_space<hbm>>) dst(%dma_wait3A_61 : memref<72x64xf32, #tpu.memory_space<vmem>>)
      %broadcast_in_dim3A = arith.constant 0.000000e+00 : f32
      %broadcast_in_dim3A_67 = vector.broadcast %broadcast_in_dim3A : f32 to vector<16xf32>
      %scan3A_68 = arith.constant 0 : i32
      %scan3A_69 = arith.constant 25 : i32
      %scan3A_70 = arith.addi %scan3A_68, %scan3A_69 : i32
      %scan3A_71 = arith.constant 1 : i32
      %scan3A_72:4 = scf.for %scan3A_144 = %scan3A_68 to %scan3A_70 step %scan3A_71 iter_args(%scan3A_145 = %broadcast_in_dim3A_67, %scan3A_146 = %broadcast_in_dim3A_67, %scan3A_147 = %broadcast_in_dim3A_67, %scan3A_148 = %broadcast_in_dim3A_67) -> (vector<16xf32>, vector<16xf32>, vector<16xf32>, vector<16xf32>)  : i32 {
        %mul3A_149 = arith.constant 8 : i32
        %mul3A_150 = arith.muli %scan3A_144, %mul3A_149 : i32
        %add3A_151 = arith.constant 0 : i32
        %add3A_152 = arith.addi %mul3A_150, %add3A_151 : i32
        %get3A = arith.index_cast %add3A_152 : i32 to index
        %get3A_153 = arith.constant 0 : index
        %get3A_154 = tpu.vector_load %arg6[%get3A, %get3A_153] {strides = array<i32>} : memref<200x64xf32, #tpu.memory_space<vmem>>, vector<1x16xf32>,
        %get3A_155 = vector.shape_cast %get3A_154 : vector<1x16xf32> to vector<16xf32>
        %add3A_156 = arith.addf %scan3A_145, %get3A_155 : vector<16xf32>
        %get3A_157 = arith.index_cast %add3A_152 : i32 to index
        %get3A_158 = arith.constant 16 : index
        %get3A_159 = tpu.vector_load %arg6[%get3A_157, %get3A_158] {strides = array<i32>} : memref<200x64xf32, #tpu.memory_space<vmem>>, vector<1x16xf32>,
        %get3A_160 = vector.shape_cast %get3A_159 : vector<1x16xf32> to vector<16xf32>
        %add3A_161 = arith.addf %scan3A_146, %get3A_160 : vector<16xf32>
        %get3A_162 = arith.index_cast %add3A_152 : i32 to index
        %get3A_163 = arith.constant 32 : index
        %get3A_164 = tpu.vector_load %arg6[%get3A_162, %get3A_163] {strides = array<i32>} : memref<200x64xf32, #tpu.memory_space<vmem>>, vector<1x16xf32>,
        %get3A_165 = vector.shape_cast %get3A_164 : vector<1x16xf32> to vector<16xf32>
        %add3A_166 = arith.addf %scan3A_147, %get3A_165 : vector<16xf32>
        %get3A_167 = arith.index_cast %add3A_152 : i32 to index
        %get3A_168 = arith.constant 48 : index
        %get3A_169 = tpu.vector_load %arg6[%get3A_167, %get3A_168] {strides = array<i32>} : memref<200x64xf32, #tpu.memory_space<vmem>>, vector<1x16xf32>,
        %get3A_170 = vector.shape_cast %get3A_169 : vector<1x16xf32> to vector<16xf32>
        %add3A_171 = arith.addf %scan3A_148, %get3A_170 : vector<16xf32>
        %mul3A_172 = arith.constant 8 : i32
        %mul3A_173 = arith.muli %scan3A_144, %mul3A_172 : i32
        %add3A_174 = arith.constant 1 : i32
        %add3A_175 = arith.addi %mul3A_173, %add3A_174 : i32
        %get3A_176 = arith.index_cast %add3A_175 : i32 to index
        %get3A_177 = arith.constant 0 : index
        %get3A_178 = tpu.vector_load %arg6[%get3A_176, %get3A_177] {strides = array<i32>} : memref<200x64xf32, #tpu.memory_space<vmem>>, vector<1x16xf32>,
        %get3A_179 = vector.shape_cast %get3A_178 : vector<1x16xf32> to vector<16xf32>
        %add3A_180 = arith.addf %add3A_156, %get3A_179 : vector<16xf32>
        %get3A_181 = arith.index_cast %add3A_175 : i32 to index
        %get3A_182 = arith.constant 16 : index
        %get3A_183 = tpu.vector_load %arg6[%get3A_181, %get3A_182] {strides = array<i32>} : memref<200x64xf32, #tpu.memory_space<vmem>>, vector<1x16xf32>,
        %get3A_184 = vector.shape_cast %get3A_183 : vector<1x16xf32> to vector<16xf32>
        %add3A_185 = arith.addf %add3A_161, %get3A_184 : vector<16xf32>
        %get3A_186 = arith.index_cast %add3A_175 : i32 to index
        %get3A_187 = arith.constant 32 : index
        %get3A_188 = tpu.vector_load %arg6[%get3A_186, %get3A_187] {strides = array<i32>} : memref<200x64xf32, #tpu.memory_space<vmem>>, vector<1x16xf32>,
        %get3A_189 = vector.shape_cast %get3A_188 : vector<1x16xf32> to vector<16xf32>
        %add3A_190 = arith.addf %add3A_166, %get3A_189 : vector<16xf32>
        %get3A_191 = arith.index_cast %add3A_175 : i32 to index
        %get3A_192 = arith.constant 48 : index
        %get3A_193 = tpu.vector_load %arg6[%get3A_191, %get3A_192] {strides = array<i32>} : memref<200x64xf32, #tpu.memory_space<vmem>>, vector<1x16xf32>,
        %get3A_194 = vector.shape_cast %get3A_193 : vector<1x16xf32> to vector<16xf32>
        %add3A_195 = arith.addf %add3A_171, %get3A_194 : vector<16xf32>
        %mul3A_196 = arith.constant 8 : i32
        %mul3A_197 = arith.muli %scan3A_144, %mul3A_196 : i32
        %add3A_198 = arith.constant 2 : i32
        %add3A_199 = arith.addi %mul3A_197, %add3A_198 : i32
        %get3A_200 = arith.index_cast %add3A_199 : i32 to index
        %get3A_201 = arith.constant 0 : index
        %get3A_202 = tpu.vector_load %arg6[%get3A_200, %get3A_201] {strides = array<i32>} : memref<200x64xf32, #tpu.memory_space<vmem>>, vector<1x16xf32>,
        %get3A_203 = vector.shape_cast %get3A_202 : vector<1x16xf32> to vector<16xf32>
        %add3A_204 = arith.addf %add3A_180, %get3A_203 : vector<16xf32>
        %get3A_205 = arith.index_cast %add3A_199 : i32 to index
        %get3A_206 = arith.constant 16 : index
        %get3A_207 = tpu.vector_load %arg6[%get3A_205, %get3A_206] {strides = array<i32>} : memref<200x64xf32, #tpu.memory_space<vmem>>, vector<1x16xf32>,
        %get3A_208 = vector.shape_cast %get3A_207 : vector<1x16xf32> to vector<16xf32>
        %add3A_209 = arith.addf %add3A_185, %get3A_208 : vector<16xf32>
        %get3A_210 = arith.index_cast %add3A_199 : i32 to index
        %get3A_211 = arith.constant 32 : index
        %get3A_212 = tpu.vector_load %arg6[%get3A_210, %get3A_211] {strides = array<i32>} : memref<200x64xf32, #tpu.memory_space<vmem>>, vector<1x16xf32>,
        %get3A_213 = vector.shape_cast %get3A_212 : vector<1x16xf32> to vector<16xf32>
        %add3A_214 = arith.addf %add3A_190, %get3A_213 : vector<16xf32>
        %get3A_215 = arith.index_cast %add3A_199 : i32 to index
        %get3A_216 = arith.constant 48 : index
        %get3A_217 = tpu.vector_load %arg6[%get3A_215, %get3A_216] {strides = array<i32>} : memref<200x64xf32, #tpu.memory_space<vmem>>, vector<1x16xf32>,
        %get3A_218 = vector.shape_cast %get3A_217 : vector<1x16xf32> to vector<16xf32>
        %add3A_219 = arith.addf %add3A_195, %get3A_218 : vector<16xf32>
        %mul3A_220 = arith.constant 8 : i32
        %mul3A_221 = arith.muli %scan3A_144, %mul3A_220 : i32
        %add3A_222 = arith.constant 3 : i32
        %add3A_223 = arith.addi %mul3A_221, %add3A_222 : i32
        %get3A_224 = arith.index_cast %add3A_223 : i32 to index
        %get3A_225 = arith.constant 0 : index
        %get3A_226 = tpu.vector_load %arg6[%get3A_224, %get3A_225] {strides = array<i32>} : memref<200x64xf32, #tpu.memory_space<vmem>>, vector<1x16xf32>,
        %get3A_227 = vector.shape_cast %get3A_226 : vector<1x16xf32> to vector<16xf32>
        %add3A_228 = arith.addf %add3A_204, %get3A_227 : vector<16xf32>
        %get3A_229 = arith.index_cast %add3A_223 : i32 to index
        %get3A_230 = arith.constant 16 : index
        %get3A_231 = tpu.vector_load %arg6[%get3A_229, %get3A_230] {strides = array<i32>} : memref<200x64xf32, #tpu.memory_space<vmem>>, vector<1x16xf32>,
        %get3A_232 = vector.shape_cast %get3A_231 : vector<1x16xf32> to vector<16xf32>
        %add3A_233 = arith.addf %add3A_209, %get3A_232 : vector<16xf32>
        %get3A_234 = arith.index_cast %add3A_223 : i32 to index
        %get3A_235 = arith.constant 32 : index
        %get3A_236 = tpu.vector_load %arg6[%get3A_234, %get3A_235] {strides = array<i32>} : memref<200x64xf32, #tpu.memory_space<vmem>>, vector<1x16xf32>,
        %get3A_237 = vector.shape_cast %get3A_236 : vector<1x16xf32> to vector<16xf32>
        %add3A_238 = arith.addf %add3A_214, %get3A_237 : vector<16xf32>
        %get3A_239 = arith.index_cast %add3A_223 : i32 to index
        %get3A_240 = arith.constant 48 : index
        %get3A_241 = tpu.vector_load %arg6[%get3A_239, %get3A_240] {strides = array<i32>} : memref<200x64xf32, #tpu.memory_space<vmem>>, vector<1x16xf32>,
        %get3A_242 = vector.shape_cast %get3A_241 : vector<1x16xf32> to vector<16xf32>
        %add3A_243 = arith.addf %add3A_219, %get3A_242 : vector<16xf32>
        %mul3A_244 = arith.constant 8 : i32
        %mul3A_245 = arith.muli %scan3A_144, %mul3A_244 : i32
        %add3A_246 = arith.constant 4 : i32
        %add3A_247 = arith.addi %mul3A_245, %add3A_246 : i32
        %get3A_248 = arith.index_cast %add3A_247 : i32 to index
        %get3A_249 = arith.constant 0 : index
        %get3A_250 = tpu.vector_load %arg6[%get3A_248, %get3A_249] {strides = array<i32>} : memref<200x64xf32, #tpu.memory_space<vmem>>, vector<1x16xf32>,
        %get3A_251 = vector.shape_cast %get3A_250 : vector<1x16xf32> to vector<16xf32>
        %add3A_252 = arith.addf %add3A_228, %get3A_251 : vector<16xf32>
        %get3A_253 = arith.index_cast %add3A_247 : i32 to index
        %get3A_254 = arith.constant 16 : index
        %get3A_255 = tpu.vector_load %arg6[%get3A_253, %get3A_254] {strides = array<i32>} : memref<200x64xf32, #tpu.memory_space<vmem>>, vector<1x16xf32>,
        %get3A_256 = vector.shape_cast %get3A_255 : vector<1x16xf32> to vector<16xf32>
        %add3A_257 = arith.addf %add3A_233, %get3A_256 : vector<16xf32>
        %get3A_258 = arith.index_cast %add3A_247 : i32 to index
        %get3A_259 = arith.constant 32 : index
        %get3A_260 = tpu.vector_load %arg6[%get3A_258, %get3A_259] {strides = array<i32>} : memref<200x64xf32, #tpu.memory_space<vmem>>, vector<1x16xf32>,
        %get3A_261 = vector.shape_cast %get3A_260 : vector<1x16xf32> to vector<16xf32>
        %add3A_262 = arith.addf %add3A_238, %get3A_261 : vector<16xf32>
        %get3A_263 = arith.index_cast %add3A_247 : i32 to index
        %get3A_264 = arith.constant 48 : index
        %get3A_265 = tpu.vector_load %arg6[%get3A_263, %get3A_264] {strides = array<i32>} : memref<200x64xf32, #tpu.memory_space<vmem>>, vector<1x16xf32>,
        %get3A_266 = vector.shape_cast %get3A_265 : vector<1x16xf32> to vector<16xf32>
        %add3A_267 = arith.addf %add3A_243, %get3A_266 : vector<16xf32>
        %mul3A_268 = arith.constant 8 : i32
        %mul3A_269 = arith.muli %scan3A_144, %mul3A_268 : i32
        %add3A_270 = arith.constant 5 : i32
        %add3A_271 = arith.addi %mul3A_269, %add3A_270 : i32
        %get3A_272 = arith.index_cast %add3A_271 : i32 to index
        %get3A_273 = arith.constant 0 : index
        %get3A_274 = tpu.vector_load %arg6[%get3A_272, %get3A_273] {strides = array<i32>} : memref<200x64xf32, #tpu.memory_space<vmem>>, vector<1x16xf32>,
        %get3A_275 = vector.shape_cast %get3A_274 : vector<1x16xf32> to vector<16xf32>
        %add3A_276 = arith.addf %add3A_252, %get3A_275 : vector<16xf32>
        %get3A_277 = arith.index_cast %add3A_271 : i32 to index
        %get3A_278 = arith.constant 16 : index
        %get3A_279 = tpu.vector_load %arg6[%get3A_277, %get3A_278] {strides = array<i32>} : memref<200x64xf32, #tpu.memory_space<vmem>>, vector<1x16xf32>,
        %get3A_280 = vector.shape_cast %get3A_279 : vector<1x16xf32> to vector<16xf32>
        %add3A_281 = arith.addf %add3A_257, %get3A_280 : vector<16xf32>
        %get3A_282 = arith.index_cast %add3A_271 : i32 to index
        %get3A_283 = arith.constant 32 : index
        %get3A_284 = tpu.vector_load %arg6[%get3A_282, %get3A_283] {strides = array<i32>} : memref<200x64xf32, #tpu.memory_space<vmem>>, vector<1x16xf32>,
        %get3A_285 = vector.shape_cast %get3A_284 : vector<1x16xf32> to vector<16xf32>
        %add3A_286 = arith.addf %add3A_262, %get3A_285 : vector<16xf32>
        %get3A_287 = arith.index_cast %add3A_271 : i32 to index
        %get3A_288 = arith.constant 48 : index
        %get3A_289 = tpu.vector_load %arg6[%get3A_287, %get3A_288] {strides = array<i32>} : memref<200x64xf32, #tpu.memory_space<vmem>>, vector<1x16xf32>,
        %get3A_290 = vector.shape_cast %get3A_289 : vector<1x16xf32> to vector<16xf32>
        %add3A_291 = arith.addf %add3A_267, %get3A_290 : vector<16xf32>
        %mul3A_292 = arith.constant 8 : i32
        %mul3A_293 = arith.muli %scan3A_144, %mul3A_292 : i32
        %add3A_294 = arith.constant 6 : i32
        %add3A_295 = arith.addi %mul3A_293, %add3A_294 : i32
        %get3A_296 = arith.index_cast %add3A_295 : i32 to index
        %get3A_297 = arith.constant 0 : index
        %get3A_298 = tpu.vector_load %arg6[%get3A_296, %get3A_297] {strides = array<i32>} : memref<200x64xf32, #tpu.memory_space<vmem>>, vector<1x16xf32>,
        %get3A_299 = vector.shape_cast %get3A_298 : vector<1x16xf32> to vector<16xf32>
        %add3A_300 = arith.addf %add3A_276, %get3A_299 : vector<16xf32>
        %get3A_301 = arith.index_cast %add3A_295 : i32 to index
        %get3A_302 = arith.constant 16 : index
        %get3A_303 = tpu.vector_load %arg6[%get3A_301, %get3A_302] {strides = array<i32>} : memref<200x64xf32, #tpu.memory_space<vmem>>, vector<1x16xf32>,
        %get3A_304 = vector.shape_cast %get3A_303 : vector<1x16xf32> to vector<16xf32>
        %add3A_305 = arith.addf %add3A_281, %get3A_304 : vector<16xf32>
        %get3A_306 = arith.index_cast %add3A_295 : i32 to index
        %get3A_307 = arith.constant 32 : index
        %get3A_308 = tpu.vector_load %arg6[%get3A_306, %get3A_307] {strides = array<i32>} : memref<200x64xf32, #tpu.memory_space<vmem>>, vector<1x16xf32>,
        %get3A_309 = vector.shape_cast %get3A_308 : vector<1x16xf32> to vector<16xf32>
        %add3A_310 = arith.addf %add3A_286, %get3A_309 : vector<16xf32>
        %get3A_311 = arith.index_cast %add3A_295 : i32 to index
        %get3A_312 = arith.constant 48 : index
        %get3A_313 = tpu.vector_load %arg6[%get3A_311, %get3A_312] {strides = array<i32>} : memref<200x64xf32, #tpu.memory_space<vmem>>, vector<1x16xf32>,
        %get3A_314 = vector.shape_cast %get3A_313 : vector<1x16xf32> to vector<16xf32>
        %add3A_315 = arith.addf %add3A_291, %get3A_314 : vector<16xf32>
        %mul3A_316 = arith.constant 8 : i32
        %mul3A_317 = arith.muli %scan3A_144, %mul3A_316 : i32
        %add3A_318 = arith.constant 7 : i32
        %add3A_319 = arith.addi %mul3A_317, %add3A_318 : i32
        %get3A_320 = arith.index_cast %add3A_319 : i32 to index
        %get3A_321 = arith.constant 0 : index
        %get3A_322 = tpu.vector_load %arg6[%get3A_320, %get3A_321] {strides = array<i32>} : memref<200x64xf32, #tpu.memory_space<vmem>>, vector<1x16xf32>,
        %get3A_323 = vector.shape_cast %get3A_322 : vector<1x16xf32> to vector<16xf32>
        %add3A_324 = arith.addf %add3A_300, %get3A_323 : vector<16xf32>
        %get3A_325 = arith.index_cast %add3A_319 : i32 to index
        %get3A_326 = arith.constant 16 : index
        %get3A_327 = tpu.vector_load %arg6[%get3A_325, %get3A_326] {strides = array<i32>} : memref<200x64xf32, #tpu.memory_space<vmem>>, vector<1x16xf32>,
        %get3A_328 = vector.shape_cast %get3A_327 : vector<1x16xf32> to vector<16xf32>
        %add3A_329 = arith.addf %add3A_305, %get3A_328 : vector<16xf32>
        %get3A_330 = arith.index_cast %add3A_319 : i32 to index
        %get3A_331 = arith.constant 32 : index
        %get3A_332 = tpu.vector_load %arg6[%get3A_330, %get3A_331] {strides = array<i32>} : memref<200x64xf32, #tpu.memory_space<vmem>>, vector<1x16xf32>,
        %get3A_333 = vector.shape_cast %get3A_332 : vector<1x16xf32> to vector<16xf32>
        %add3A_334 = arith.addf %add3A_310, %get3A_333 : vector<16xf32>
        %get3A_335 = arith.index_cast %add3A_319 : i32 to index
        %get3A_336 = arith.constant 48 : index
        %get3A_337 = tpu.vector_load %arg6[%get3A_335, %get3A_336] {strides = array<i32>} : memref<200x64xf32, #tpu.memory_space<vmem>>, vector<1x16xf32>,
        %get3A_338 = vector.shape_cast %get3A_337 : vector<1x16xf32> to vector<16xf32>
        %add3A_339 = arith.addf %add3A_315, %get3A_338 : vector<16xf32>
        scf.yield %add3A_324, %add3A_329, %add3A_334, %add3A_339 : vector<16xf32>, vector<16xf32>, vector<16xf32>, vector<16xf32>
      }
      %scan3A_73 = arith.constant 25 : i32
      %swap3A = arith.index_cast %mul3A_29 : i32 to index
      %swap3A_74 = arith.constant 0 : index
      %swap3A_75 = tpu.vector_load %arg8[%swap3A, %swap3A_74] {strides = array<i32>} : memref<128x64xf32, #tpu.memory_space<vmem>>, vector<1x16xf32>,
      %swap3A_76 = vector.shape_cast %swap3A_75 : vector<1x16xf32> to vector<16xf32>
      %swap3A_77 = vector.shape_cast %scan3A_72#0 : vector<16xf32> to vector<1x16xf32>
      tpu.vector_store %arg8[%swap3A, %swap3A_74], %swap3A_77 {strides = array<i32>} : memref<128x64xf32, #tpu.memory_space<vmem>>, vector<1x16xf32>,
      %swap3A_78 = arith.index_cast %mul3A_29 : i32 to index
      %swap3A_79 = arith.constant 16 : index
      %swap3A_80 = tpu.vector_load %arg8[%swap3A_78, %swap3A_79] {strides = array<i32>} : memref<128x64xf32, #tpu.memory_space<vmem>>, vector<1x16xf32>,
      %swap3A_81 = vector.shape_cast %swap3A_80 : vector<1x16xf32> to vector<16xf32>
      %swap3A_82 = vector.shape_cast %scan3A_72#1 : vector<16xf32> to vector<1x16xf32>
      tpu.vector_store %arg8[%swap3A_78, %swap3A_79], %swap3A_82 {strides = array<i32>} : memref<128x64xf32, #tpu.memory_space<vmem>>, vector<1x16xf32>,
      %swap3A_83 = arith.index_cast %mul3A_29 : i32 to index
      %swap3A_84 = arith.constant 32 : index
      %swap3A_85 = tpu.vector_load %arg8[%swap3A_83, %swap3A_84] {strides = array<i32>} : memref<128x64xf32, #tpu.memory_space<vmem>>, vector<1x16xf32>,
      %swap3A_86 = vector.shape_cast %swap3A_85 : vector<1x16xf32> to vector<16xf32>
      %swap3A_87 = vector.shape_cast %scan3A_72#2 : vector<16xf32> to vector<1x16xf32>
      tpu.vector_store %arg8[%swap3A_83, %swap3A_84], %swap3A_87 {strides = array<i32>} : memref<128x64xf32, #tpu.memory_space<vmem>>, vector<1x16xf32>,
      %swap3A_88 = arith.index_cast %mul3A_29 : i32 to index
      %swap3A_89 = arith.constant 48 : index
      %swap3A_90 = tpu.vector_load %arg8[%swap3A_88, %swap3A_89] {strides = array<i32>} : memref<128x64xf32, #tpu.memory_space<vmem>>, vector<1x16xf32>,
      %swap3A_91 = vector.shape_cast %swap3A_90 : vector<1x16xf32> to vector<16xf32>
      %swap3A_92 = vector.shape_cast %scan3A_72#3 : vector<16xf32> to vector<1x16xf32>
      tpu.vector_store %arg8[%swap3A_88, %swap3A_89], %swap3A_92 {strides = array<i32>} : memref<128x64xf32, #tpu.memory_space<vmem>>, vector<1x16xf32>,
      %add3A_93 = arith.constant 2 : i32
      %add3A_94 = arith.addi %mul3A_29, %add3A_93 : i32
      %lt3A = arith.constant 128 : i32
      %lt3A_95 = arith.cmpi slt, %add3A_94, %lt3A : i32
      %convert_element_type3A = arith.extui %lt3A_95 : i1 to i32
      %cond3A = arith.constant 0 : i32
      %cond3A_96 = arith.cmpi ne, %convert_element_type3A, %cond3A : i32
      scf.if %cond3A_96 {
        %add3A_144 = arith.constant 2 : i32
        %add3A_145 = arith.addi %mul3A_29, %add3A_144 : i32
        %mul3A_146 = arith.constant 200 : i32
        %mul3A_147 = arith.muli %add3A_145, %mul3A_146 : i32
        %add3A_148 = arith.constant 0 : i32
        %add3A_149 = arith.addi %mul3A_147, %add3A_148 : i32
        %dma_start3A_150 = arith.constant 0 : i32
        %dma_start3A_151 = arith.constant 0 : i32
        %dma_start3A_152 = tpu.memref_slice %arg6[%dma_start3A_150, %dma_start3A_151] : memref<200x64xf32, #tpu.memory_space<vmem>> -> memref<128x64xf32, #tpu.memory_space<vmem>>
        %dma_start3A_153 = tpu.memref_slice %arg5[%add3A_149] : memref<25600xi32, #tpu.memory_space<vmem>> -> memref<128xi32, #tpu.memory_space<vmem>>
        %dma_start3A_154 = arith.constant 0 : i32
        %dma_start3A_155 = arith.constant 0 : i32
        %dma_start3A_156 = tpu.memref_slice %arg3[%dma_start3A_154, %dma_start3A_155] : memref<1048576x64xf32, #tpu.memory_space<hbm>> -> memref<1048576x64xf32, #tpu.memory_space<hbm>>
        tpu.enqueue_indirect_dma source(%dma_start3A_156 : memref<1048576x64xf32, #tpu.memory_space<hbm>>) target(%dma_start3A_152 : memref<128x64xf32, #tpu.memory_space<vmem>>) offsets(%dma_start3A_153 : memref<128xi32, #tpu.memory_space<vmem>>) semaphore(%arg9 : memref<!tpu.dma_semaphore, #tpu.memory_space<semaphore_mem>>)
        %add3A_157 = arith.constant 128 : i32
        %add3A_158 = arith.addi %mul3A_147, %add3A_157 : i32
        %dma_start3A_159 = arith.constant 128 : i32
        %dma_start3A_160 = arith.constant 0 : i32
        %dma_start3A_161 = tpu.memref_slice %arg6[%dma_start3A_159, %dma_start3A_160] : memref<200x64xf32, #tpu.memory_space<vmem>> -> memref<72x64xf32, #tpu.memory_space<vmem>>
        %dma_start3A_162 = tpu.memref_slice %arg5[%add3A_158] : memref<25600xi32, #tpu.memory_space<vmem>> -> memref<72xi32, #tpu.memory_space<vmem>>
        %dma_start3A_163 = arith.constant 0 : i32
        %dma_start3A_164 = arith.constant 0 : i32
        %dma_start3A_165 = tpu.memref_slice %arg3[%dma_start3A_163, %dma_start3A_164] : memref<1048576x64xf32, #tpu.memory_space<hbm>> -> memref<1048576x64xf32, #tpu.memory_space<hbm>>
        tpu.enqueue_indirect_dma source(%dma_start3A_165 : memref<1048576x64xf32, #tpu.memory_space<hbm>>) target(%dma_start3A_161 : memref<72x64xf32, #tpu.memory_space<vmem>>) offsets(%dma_start3A_162 : memref<72xi32, #tpu.memory_space<vmem>>) semaphore(%arg9 : memref<!tpu.dma_semaphore, #tpu.memory_space<semaphore_mem>>)
      } else {
      }
      %dma_wait3A_97 = arith.constant 0 : i32
      %dma_wait3A_98 = arith.constant 0 : i32
      %dma_wait3A_99 = tpu.memref_slice %arg7[%dma_wait3A_97, %dma_wait3A_98] : memref<200x64xf32, #tpu.memory_space<vmem>> -> memref<128x64xf32, #tpu.memory_space<vmem>>
      %dma_wait3A_100 = arith.constant 0 : i32
      %dma_wait3A_101 = tpu.memref_slice %arg5[%dma_wait3A_100] : memref<25600xi32, #tpu.memory_space<vmem>> -> memref<128xi32, #tpu.memory_space<vmem>>
      %dma_wait3A_102 = arith.constant 0 : i32
      %dma_wait3A_103 = arith.constant 0 : i32
      %dma_wait3A_104 = tpu.memref_slice %arg3[%dma_wait3A_102, %dma_wait3A_103] : memref<1048576x64xf32, #tpu.memory_space<hbm>> -> memref<1048576x64xf32, #tpu.memory_space<hbm>>
      tpu.wait_indirect_dma semaphore(%arg10 : memref<!tpu.dma_semaphore, #tpu.memory_space<semaphore_mem>>) src(%dma_wait3A_104 : memref<1048576x64xf32, #tpu.memory_space<hbm>>) dst(%dma_wait3A_99 : memref<128x64xf32, #tpu.memory_space<vmem>>)
      %dma_wait3A_105 = arith.constant 128 : i32
      %dma_wait3A_106 = arith.constant 0 : i32
      %dma_wait3A_107 = tpu.memref_slice %arg7[%dma_wait3A_105, %dma_wait3A_106] : memref<200x64xf32, #tpu.memory_space<vmem>> -> memref<72x64xf32, #tpu.memory_space<vmem>>
      %dma_wait3A_108 = arith.constant 128 : i32
      %dma_wait3A_109 = tpu.memref_slice %arg5[%dma_wait3A_108] : memref<25600xi32, #tpu.memory_space<vmem>> -> memref<72xi32, #tpu.memory_space<vmem>>
      %dma_wait3A_110 = arith.constant 0 : i32
      %dma_wait3A_111 = arith.constant 0 : i32
      %dma_wait3A_112 = tpu.memref_slice %arg3[%dma_wait3A_110, %dma_wait3A_111] : memref<1048576x64xf32, #tpu.memory_space<hbm>> -> memref<1048576x64xf32, #tpu.memory_space<hbm>>
      tpu.wait_indirect_dma semaphore(%arg10 : memref<!tpu.dma_semaphore, #tpu.memory_space<semaphore_mem>>) src(%dma_wait3A_112 : memref<1048576x64xf32, #tpu.memory_space<hbm>>) dst(%dma_wait3A_107 : memref<72x64xf32, #tpu.memory_space<vmem>>)
      %add3A_113 = arith.constant 1 : i32
      %add3A_114 = arith.addi %mul3A_29, %add3A_113 : i32
      %broadcast_in_dim3A_115 = arith.constant 0.000000e+00 : f32
      %broadcast_in_dim3A_116 = vector.broadcast %broadcast_in_dim3A_115 : f32 to vector<16xf32>
      %scan3A_117 = arith.constant 0 : i32
      %scan3A_118 = arith.constant 25 : i32
      %scan3A_119 = arith.addi %scan3A_117, %scan3A_118 : i32
      %scan3A_120 = arith.constant 1 : i32
      %scan3A_121:4 = scf.for %scan3A_144 = %scan3A_117 to %scan3A_119 step %scan3A_120 iter_args(%scan3A_145 = %broadcast_in_dim3A_116, %scan3A_146 = %broadcast_in_dim3A_116, %scan3A_147 = %broadcast_in_dim3A_116, %scan3A_148 = %broadcast_in_dim3A_116) -> (vector<16xf32>, vector<16xf32>, vector<16xf32>, vector<16xf32>)  : i32 {
        %mul3A_149 = arith.constant 8 : i32
        %mul3A_150 = arith.muli %scan3A_144, %mul3A_149 : i32
        %add3A_151 = arith.constant 0 : i32
        %add3A_152 = arith.addi %mul3A_150, %add3A_151 : i32
        %get3A = arith.index_cast %add3A_152 : i32 to index
        %get3A_153 = arith.constant 0 : index
        %get3A_154 = tpu.vector_load %arg7[%get3A, %get3A_153] {strides = array<i32>} : memref<200x64xf32, #tpu.memory_space<vmem>>, vector<1x16xf32>,
        %get3A_155 = vector.shape_cast %get3A_154 : vector<1x16xf32> to vector<16xf32>
        %add3A_156 = arith.addf %scan3A_145, %get3A_155 : vector<16xf32>
        %get3A_157 = arith.index_cast %add3A_152 : i32 to index
        %get3A_158 = arith.constant 16 : index
        %get3A_159 = tpu.vector_load %arg7[%get3A_157, %get3A_158] {strides = array<i32>} : memref<200x64xf32, #tpu.memory_space<vmem>>, vector<1x16xf32>,
        %get3A_160 = vector.shape_cast %get3A_159 : vector<1x16xf32> to vector<16xf32>
        %add3A_161 = arith.addf %scan3A_146, %get3A_160 : vector<16xf32>
        %get3A_162 = arith.index_cast %add3A_152 : i32 to index
        %get3A_163 = arith.constant 32 : index
        %get3A_164 = tpu.vector_load %arg7[%get3A_162, %get3A_163] {strides = array<i32>} : memref<200x64xf32, #tpu.memory_space<vmem>>, vector<1x16xf32>,
        %get3A_165 = vector.shape_cast %get3A_164 : vector<1x16xf32> to vector<16xf32>
        %add3A_166 = arith.addf %scan3A_147, %get3A_165 : vector<16xf32>
        %get3A_167 = arith.index_cast %add3A_152 : i32 to index
        %get3A_168 = arith.constant 48 : index
        %get3A_169 = tpu.vector_load %arg7[%get3A_167, %get3A_168] {strides = array<i32>} : memref<200x64xf32, #tpu.memory_space<vmem>>, vector<1x16xf32>,
        %get3A_170 = vector.shape_cast %get3A_169 : vector<1x16xf32> to vector<16xf32>
        %add3A_171 = arith.addf %scan3A_148, %get3A_170 : vector<16xf32>
        %mul3A_172 = arith.constant 8 : i32
        %mul3A_173 = arith.muli %scan3A_144, %mul3A_172 : i32
        %add3A_174 = arith.constant 1 : i32
        %add3A_175 = arith.addi %mul3A_173, %add3A_174 : i32
        %get3A_176 = arith.index_cast %add3A_175 : i32 to index
        %get3A_177 = arith.constant 0 : index
        %get3A_178 = tpu.vector_load %arg7[%get3A_176, %get3A_177] {strides = array<i32>} : memref<200x64xf32, #tpu.memory_space<vmem>>, vector<1x16xf32>,
        %get3A_179 = vector.shape_cast %get3A_178 : vector<1x16xf32> to vector<16xf32>
        %add3A_180 = arith.addf %add3A_156, %get3A_179 : vector<16xf32>
        %get3A_181 = arith.index_cast %add3A_175 : i32 to index
        %get3A_182 = arith.constant 16 : index
        %get3A_183 = tpu.vector_load %arg7[%get3A_181, %get3A_182] {strides = array<i32>} : memref<200x64xf32, #tpu.memory_space<vmem>>, vector<1x16xf32>,
        %get3A_184 = vector.shape_cast %get3A_183 : vector<1x16xf32> to vector<16xf32>
        %add3A_185 = arith.addf %add3A_161, %get3A_184 : vector<16xf32>
        %get3A_186 = arith.index_cast %add3A_175 : i32 to index
        %get3A_187 = arith.constant 32 : index
        %get3A_188 = tpu.vector_load %arg7[%get3A_186, %get3A_187] {strides = array<i32>} : memref<200x64xf32, #tpu.memory_space<vmem>>, vector<1x16xf32>,
        %get3A_189 = vector.shape_cast %get3A_188 : vector<1x16xf32> to vector<16xf32>
        %add3A_190 = arith.addf %add3A_166, %get3A_189 : vector<16xf32>
        %get3A_191 = arith.index_cast %add3A_175 : i32 to index
        %get3A_192 = arith.constant 48 : index
        %get3A_193 = tpu.vector_load %arg7[%get3A_191, %get3A_192] {strides = array<i32>} : memref<200x64xf32, #tpu.memory_space<vmem>>, vector<1x16xf32>,
        %get3A_194 = vector.shape_cast %get3A_193 : vector<1x16xf32> to vector<16xf32>
        %add3A_195 = arith.addf %add3A_171, %get3A_194 : vector<16xf32>
        %mul3A_196 = arith.constant 8 : i32
        %mul3A_197 = arith.muli %scan3A_144, %mul3A_196 : i32
        %add3A_198 = arith.constant 2 : i32
        %add3A_199 = arith.addi %mul3A_197, %add3A_198 : i32
        %get3A_200 = arith.index_cast %add3A_199 : i32 to index
        %get3A_201 = arith.constant 0 : index
        %get3A_202 = tpu.vector_load %arg7[%get3A_200, %get3A_201] {strides = array<i32>} : memref<200x64xf32, #tpu.memory_space<vmem>>, vector<1x16xf32>,
        %get3A_203 = vector.shape_cast %get3A_202 : vector<1x16xf32> to vector<16xf32>
        %add3A_204 = arith.addf %add3A_180, %get3A_203 : vector<16xf32>
        %get3A_205 = arith.index_cast %add3A_199 : i32 to index
        %get3A_206 = arith.constant 16 : index
        %get3A_207 = tpu.vector_load %arg7[%get3A_205, %get3A_206] {strides = array<i32>} : memref<200x64xf32, #tpu.memory_space<vmem>>, vector<1x16xf32>,
        %get3A_208 = vector.shape_cast %get3A_207 : vector<1x16xf32> to vector<16xf32>
        %add3A_209 = arith.addf %add3A_185, %get3A_208 : vector<16xf32>
        %get3A_210 = arith.index_cast %add3A_199 : i32 to index
        %get3A_211 = arith.constant 32 : index
        %get3A_212 = tpu.vector_load %arg7[%get3A_210, %get3A_211] {strides = array<i32>} : memref<200x64xf32, #tpu.memory_space<vmem>>, vector<1x16xf32>,
        %get3A_213 = vector.shape_cast %get3A_212 : vector<1x16xf32> to vector<16xf32>
        %add3A_214 = arith.addf %add3A_190, %get3A_213 : vector<16xf32>
        %get3A_215 = arith.index_cast %add3A_199 : i32 to index
        %get3A_216 = arith.constant 48 : index
        %get3A_217 = tpu.vector_load %arg7[%get3A_215, %get3A_216] {strides = array<i32>} : memref<200x64xf32, #tpu.memory_space<vmem>>, vector<1x16xf32>,
        %get3A_218 = vector.shape_cast %get3A_217 : vector<1x16xf32> to vector<16xf32>
        %add3A_219 = arith.addf %add3A_195, %get3A_218 : vector<16xf32>
        %mul3A_220 = arith.constant 8 : i32
        %mul3A_221 = arith.muli %scan3A_144, %mul3A_220 : i32
        %add3A_222 = arith.constant 3 : i32
        %add3A_223 = arith.addi %mul3A_221, %add3A_222 : i32
        %get3A_224 = arith.index_cast %add3A_223 : i32 to index
        %get3A_225 = arith.constant 0 : index
        %get3A_226 = tpu.vector_load %arg7[%get3A_224, %get3A_225] {strides = array<i32>} : memref<200x64xf32, #tpu.memory_space<vmem>>, vector<1x16xf32>,
        %get3A_227 = vector.shape_cast %get3A_226 : vector<1x16xf32> to vector<16xf32>
        %add3A_228 = arith.addf %add3A_204, %get3A_227 : vector<16xf32>
        %get3A_229 = arith.index_cast %add3A_223 : i32 to index
        %get3A_230 = arith.constant 16 : index
        %get3A_231 = tpu.vector_load %arg7[%get3A_229, %get3A_230] {strides = array<i32>} : memref<200x64xf32, #tpu.memory_space<vmem>>, vector<1x16xf32>,
        %get3A_232 = vector.shape_cast %get3A_231 : vector<1x16xf32> to vector<16xf32>
        %add3A_233 = arith.addf %add3A_209, %get3A_232 : vector<16xf32>
        %get3A_234 = arith.index_cast %add3A_223 : i32 to index
        %get3A_235 = arith.constant 32 : index
        %get3A_236 = tpu.vector_load %arg7[%get3A_234, %get3A_235] {strides = array<i32>} : memref<200x64xf32, #tpu.memory_space<vmem>>, vector<1x16xf32>,
        %get3A_237 = vector.shape_cast %get3A_236 : vector<1x16xf32> to vector<16xf32>
        %add3A_238 = arith.addf %add3A_214, %get3A_237 : vector<16xf32>
        %get3A_239 = arith.index_cast %add3A_223 : i32 to index
        %get3A_240 = arith.constant 48 : index
        %get3A_241 = tpu.vector_load %arg7[%get3A_239, %get3A_240] {strides = array<i32>} : memref<200x64xf32, #tpu.memory_space<vmem>>, vector<1x16xf32>,
        %get3A_242 = vector.shape_cast %get3A_241 : vector<1x16xf32> to vector<16xf32>
        %add3A_243 = arith.addf %add3A_219, %get3A_242 : vector<16xf32>
        %mul3A_244 = arith.constant 8 : i32
        %mul3A_245 = arith.muli %scan3A_144, %mul3A_244 : i32
        %add3A_246 = arith.constant 4 : i32
        %add3A_247 = arith.addi %mul3A_245, %add3A_246 : i32
        %get3A_248 = arith.index_cast %add3A_247 : i32 to index
        %get3A_249 = arith.constant 0 : index
        %get3A_250 = tpu.vector_load %arg7[%get3A_248, %get3A_249] {strides = array<i32>} : memref<200x64xf32, #tpu.memory_space<vmem>>, vector<1x16xf32>,
        %get3A_251 = vector.shape_cast %get3A_250 : vector<1x16xf32> to vector<16xf32>
        %add3A_252 = arith.addf %add3A_228, %get3A_251 : vector<16xf32>
        %get3A_253 = arith.index_cast %add3A_247 : i32 to index
        %get3A_254 = arith.constant 16 : index
        %get3A_255 = tpu.vector_load %arg7[%get3A_253, %get3A_254] {strides = array<i32>} : memref<200x64xf32, #tpu.memory_space<vmem>>, vector<1x16xf32>,
        %get3A_256 = vector.shape_cast %get3A_255 : vector<1x16xf32> to vector<16xf32>
        %add3A_257 = arith.addf %add3A_233, %get3A_256 : vector<16xf32>
        %get3A_258 = arith.index_cast %add3A_247 : i32 to index
        %get3A_259 = arith.constant 32 : index
        %get3A_260 = tpu.vector_load %arg7[%get3A_258, %get3A_259] {strides = array<i32>} : memref<200x64xf32, #tpu.memory_space<vmem>>, vector<1x16xf32>,
        %get3A_261 = vector.shape_cast %get3A_260 : vector<1x16xf32> to vector<16xf32>
        %add3A_262 = arith.addf %add3A_238, %get3A_261 : vector<16xf32>
        %get3A_263 = arith.index_cast %add3A_247 : i32 to index
        %get3A_264 = arith.constant 48 : index
        %get3A_265 = tpu.vector_load %arg7[%get3A_263, %get3A_264] {strides = array<i32>} : memref<200x64xf32, #tpu.memory_space<vmem>>, vector<1x16xf32>,
        %get3A_266 = vector.shape_cast %get3A_265 : vector<1x16xf32> to vector<16xf32>
        %add3A_267 = arith.addf %add3A_243, %get3A_266 : vector<16xf32>
        %mul3A_268 = arith.constant 8 : i32
        %mul3A_269 = arith.muli %scan3A_144, %mul3A_268 : i32
        %add3A_270 = arith.constant 5 : i32
        %add3A_271 = arith.addi %mul3A_269, %add3A_270 : i32
        %get3A_272 = arith.index_cast %add3A_271 : i32 to index
        %get3A_273 = arith.constant 0 : index
        %get3A_274 = tpu.vector_load %arg7[%get3A_272, %get3A_273] {strides = array<i32>} : memref<200x64xf32, #tpu.memory_space<vmem>>, vector<1x16xf32>,
        %get3A_275 = vector.shape_cast %get3A_274 : vector<1x16xf32> to vector<16xf32>
        %add3A_276 = arith.addf %add3A_252, %get3A_275 : vector<16xf32>
        %get3A_277 = arith.index_cast %add3A_271 : i32 to index
        %get3A_278 = arith.constant 16 : index
        %get3A_279 = tpu.vector_load %arg7[%get3A_277, %get3A_278] {strides = array<i32>} : memref<200x64xf32, #tpu.memory_space<vmem>>, vector<1x16xf32>,
        %get3A_280 = vector.shape_cast %get3A_279 : vector<1x16xf32> to vector<16xf32>
        %add3A_281 = arith.addf %add3A_257, %get3A_280 : vector<16xf32>
        %get3A_282 = arith.index_cast %add3A_271 : i32 to index
        %get3A_283 = arith.constant 32 : index
        %get3A_284 = tpu.vector_load %arg7[%get3A_282, %get3A_283] {strides = array<i32>} : memref<200x64xf32, #tpu.memory_space<vmem>>, vector<1x16xf32>,
        %get3A_285 = vector.shape_cast %get3A_284 : vector<1x16xf32> to vector<16xf32>
        %add3A_286 = arith.addf %add3A_262, %get3A_285 : vector<16xf32>
        %get3A_287 = arith.index_cast %add3A_271 : i32 to index
        %get3A_288 = arith.constant 48 : index
        %get3A_289 = tpu.vector_load %arg7[%get3A_287, %get3A_288] {strides = array<i32>} : memref<200x64xf32, #tpu.memory_space<vmem>>, vector<1x16xf32>,
        %get3A_290 = vector.shape_cast %get3A_289 : vector<1x16xf32> to vector<16xf32>
        %add3A_291 = arith.addf %add3A_267, %get3A_290 : vector<16xf32>
        %mul3A_292 = arith.constant 8 : i32
        %mul3A_293 = arith.muli %scan3A_144, %mul3A_292 : i32
        %add3A_294 = arith.constant 6 : i32
        %add3A_295 = arith.addi %mul3A_293, %add3A_294 : i32
        %get3A_296 = arith.index_cast %add3A_295 : i32 to index
        %get3A_297 = arith.constant 0 : index
        %get3A_298 = tpu.vector_load %arg7[%get3A_296, %get3A_297] {strides = array<i32>} : memref<200x64xf32, #tpu.memory_space<vmem>>, vector<1x16xf32>,
        %get3A_299 = vector.shape_cast %get3A_298 : vector<1x16xf32> to vector<16xf32>
        %add3A_300 = arith.addf %add3A_276, %get3A_299 : vector<16xf32>
        %get3A_301 = arith.index_cast %add3A_295 : i32 to index
        %get3A_302 = arith.constant 16 : index
        %get3A_303 = tpu.vector_load %arg7[%get3A_301, %get3A_302] {strides = array<i32>} : memref<200x64xf32, #tpu.memory_space<vmem>>, vector<1x16xf32>,
        %get3A_304 = vector.shape_cast %get3A_303 : vector<1x16xf32> to vector<16xf32>
        %add3A_305 = arith.addf %add3A_281, %get3A_304 : vector<16xf32>
        %get3A_306 = arith.index_cast %add3A_295 : i32 to index
        %get3A_307 = arith.constant 32 : index
        %get3A_308 = tpu.vector_load %arg7[%get3A_306, %get3A_307] {strides = array<i32>} : memref<200x64xf32, #tpu.memory_space<vmem>>, vector<1x16xf32>,
        %get3A_309 = vector.shape_cast %get3A_308 : vector<1x16xf32> to vector<16xf32>
        %add3A_310 = arith.addf %add3A_286, %get3A_309 : vector<16xf32>
        %get3A_311 = arith.index_cast %add3A_295 : i32 to index
        %get3A_312 = arith.constant 48 : index
        %get3A_313 = tpu.vector_load %arg7[%get3A_311, %get3A_312] {strides = array<i32>} : memref<200x64xf32, #tpu.memory_space<vmem>>, vector<1x16xf32>,
        %get3A_314 = vector.shape_cast %get3A_313 : vector<1x16xf32> to vector<16xf32>
        %add3A_315 = arith.addf %add3A_291, %get3A_314 : vector<16xf32>
        %mul3A_316 = arith.constant 8 : i32
        %mul3A_317 = arith.muli %scan3A_144, %mul3A_316 : i32
        %add3A_318 = arith.constant 7 : i32
        %add3A_319 = arith.addi %mul3A_317, %add3A_318 : i32
        %get3A_320 = arith.index_cast %add3A_319 : i32 to index
        %get3A_321 = arith.constant 0 : index
        %get3A_322 = tpu.vector_load %arg7[%get3A_320, %get3A_321] {strides = array<i32>} : memref<200x64xf32, #tpu.memory_space<vmem>>, vector<1x16xf32>,
        %get3A_323 = vector.shape_cast %get3A_322 : vector<1x16xf32> to vector<16xf32>
        %add3A_324 = arith.addf %add3A_300, %get3A_323 : vector<16xf32>
        %get3A_325 = arith.index_cast %add3A_319 : i32 to index
        %get3A_326 = arith.constant 16 : index
        %get3A_327 = tpu.vector_load %arg7[%get3A_325, %get3A_326] {strides = array<i32>} : memref<200x64xf32, #tpu.memory_space<vmem>>, vector<1x16xf32>,
        %get3A_328 = vector.shape_cast %get3A_327 : vector<1x16xf32> to vector<16xf32>
        %add3A_329 = arith.addf %add3A_305, %get3A_328 : vector<16xf32>
        %get3A_330 = arith.index_cast %add3A_319 : i32 to index
        %get3A_331 = arith.constant 32 : index
        %get3A_332 = tpu.vector_load %arg7[%get3A_330, %get3A_331] {strides = array<i32>} : memref<200x64xf32, #tpu.memory_space<vmem>>, vector<1x16xf32>,
        %get3A_333 = vector.shape_cast %get3A_332 : vector<1x16xf32> to vector<16xf32>
        %add3A_334 = arith.addf %add3A_310, %get3A_333 : vector<16xf32>
        %get3A_335 = arith.index_cast %add3A_319 : i32 to index
        %get3A_336 = arith.constant 48 : index
        %get3A_337 = tpu.vector_load %arg7[%get3A_335, %get3A_336] {strides = array<i32>} : memref<200x64xf32, #tpu.memory_space<vmem>>, vector<1x16xf32>,
        %get3A_338 = vector.shape_cast %get3A_337 : vector<1x16xf32> to vector<16xf32>
        %add3A_339 = arith.addf %add3A_315, %get3A_338 : vector<16xf32>
        scf.yield %add3A_324, %add3A_329, %add3A_334, %add3A_339 : vector<16xf32>, vector<16xf32>, vector<16xf32>, vector<16xf32>
      }
      %scan3A_122 = arith.constant 25 : i32
      %swap3A_123 = arith.index_cast %add3A_114 : i32 to index
      %swap3A_124 = arith.constant 0 : index
      %swap3A_125 = tpu.vector_load %arg8[%swap3A_123, %swap3A_124] {strides = array<i32>} : memref<128x64xf32, #tpu.memory_space<vmem>>, vector<1x16xf32>,
      %swap3A_126 = vector.shape_cast %swap3A_125 : vector<1x16xf32> to vector<16xf32>
      %swap3A_127 = vector.shape_cast %scan3A_121#0 : vector<16xf32> to vector<1x16xf32>
      tpu.vector_store %arg8[%swap3A_123, %swap3A_124], %swap3A_127 {strides = array<i32>} : memref<128x64xf32, #tpu.memory_space<vmem>>, vector<1x16xf32>,
      %swap3A_128 = arith.index_cast %add3A_114 : i32 to index
      %swap3A_129 = arith.constant 16 : index
      %swap3A_130 = tpu.vector_load %arg8[%swap3A_128, %swap3A_129] {strides = array<i32>} : memref<128x64xf32, #tpu.memory_space<vmem>>, vector<1x16xf32>,
      %swap3A_131 = vector.shape_cast %swap3A_130 : vector<1x16xf32> to vector<16xf32>
      %swap3A_132 = vector.shape_cast %scan3A_121#1 : vector<16xf32> to vector<1x16xf32>
      tpu.vector_store %arg8[%swap3A_128, %swap3A_129], %swap3A_132 {strides = array<i32>} : memref<128x64xf32, #tpu.memory_space<vmem>>, vector<1x16xf32>,
      %swap3A_133 = arith.index_cast %add3A_114 : i32 to index
      %swap3A_134 = arith.constant 32 : index
      %swap3A_135 = tpu.vector_load %arg8[%swap3A_133, %swap3A_134] {strides = array<i32>} : memref<128x64xf32, #tpu.memory_space<vmem>>, vector<1x16xf32>,
      %swap3A_136 = vector.shape_cast %swap3A_135 : vector<1x16xf32> to vector<16xf32>
      %swap3A_137 = vector.shape_cast %scan3A_121#2 : vector<16xf32> to vector<1x16xf32>
      tpu.vector_store %arg8[%swap3A_133, %swap3A_134], %swap3A_137 {strides = array<i32>} : memref<128x64xf32, #tpu.memory_space<vmem>>, vector<1x16xf32>,
      %swap3A_138 = arith.index_cast %add3A_114 : i32 to index
      %swap3A_139 = arith.constant 48 : index
      %swap3A_140 = tpu.vector_load %arg8[%swap3A_138, %swap3A_139] {strides = array<i32>} : memref<128x64xf32, #tpu.memory_space<vmem>>, vector<1x16xf32>,
      %swap3A_141 = vector.shape_cast %swap3A_140 : vector<1x16xf32> to vector<16xf32>
      %swap3A_142 = vector.shape_cast %scan3A_121#3 : vector<16xf32> to vector<1x16xf32>
      tpu.vector_store %arg8[%swap3A_138, %swap3A_139], %swap3A_142 {strides = array<i32>} : memref<128x64xf32, #tpu.memory_space<vmem>>, vector<1x16xf32>,
      %scan3A_143 = arith.constant 0 : i32
      scf.yield %scan3A_143 : i32
    }
    %scan3A_25 = arith.constant 64 : i32
    "tpu.region"() ({
      %run_scoped3A = tpu.sem_alloc : memref<!tpu.dma_semaphore, #tpu.memory_space<semaphore_mem>>
      %dma_start3A_26 = arith.constant 0 : i32
      %dma_start3A_27 = tpu.memref_slice %arg4[%mul3A_2, %dma_start3A_26] : memref<4096x64xf32, #tpu.memory_space<hbm>> -> memref<128x64xf32, #tpu.memory_space<hbm>>
      %dma_start3A_28 = arith.constant 0 : i32
      %dma_start3A_29 = tpu.memref_slice %arg4[%mul3A_2, %dma_start3A_28] : memref<4096x64xf32, #tpu.memory_space<hbm>> -> memref<128x64xf32, #tpu.memory_space<hbm>>
      tpu.enqueue_dma source(%arg8 : memref<128x64xf32, #tpu.memory_space<vmem>>) target(%dma_start3A_29 : memref<128x64xf32, #tpu.memory_space<hbm>>) target_semaphore(%run_scoped3A : memref<!tpu.dma_semaphore, #tpu.memory_space<semaphore_mem>>)
      %dma_wait3A = arith.constant 0 : i32
      %dma_wait3A_30 = tpu.memref_slice %arg4[%mul3A_2, %dma_wait3A] : memref<4096x64xf32, #tpu.memory_space<hbm>> -> memref<128x64xf32, #tpu.memory_space<hbm>>
      %dma_wait3A_31 = arith.constant 0 : i32
      %dma_wait3A_32 = tpu.memref_slice %arg4[%mul3A_2, %dma_wait3A_31] : memref<4096x64xf32, #tpu.memory_space<hbm>> -> memref<128x64xf32, #tpu.memory_space<hbm>>
      tpu.wait_dma2 semaphore(%run_scoped3A : memref<!tpu.dma_semaphore, #tpu.memory_space<semaphore_mem>>) src(%arg8 : memref<128x64xf32, #tpu.memory_space<vmem>>) dst(%dma_wait3A_32 : memref<128x64xf32, #tpu.memory_space<hbm>>)
      tpu.yield
    }) : () -> ()
    return
  }
}

module attributes {stable_mosaic.version = 14 : i64} {
  func.func @_transpose_body(%arg0: i32, %arg1: memref<64x8192xf32, #tpu.memory_space<vmem>>, %arg2: memref<64x8192xf32, #tpu.memory_space<vmem>>, %arg3: memref<8192x128xf32, #tpu.memory_space<vmem>>) attributes {dimension_semantics = [#tpu.dimension_semantics<parallel>], iteration_bounds = array<i64: 64>, scalar_prefetch = 0 : i64, scratch_operands = 0 : i64, tpu.core_type = #tpu.core_type<tc>, window_params = [{transform_indices = @transform_0, window_bounds = array<i64: 64, 8192>}, {transform_indices = @transform_1, window_bounds = array<i64: 64, 8192>}, {transform_indices = @transform_2, window_bounds = array<i64: 8192, 128>}]} {
    %get3A = arith.constant 0 : index
    %get3A_0 = arith.constant 0 : index
    %get3A_1 = vector.load %arg1[%get3A, %get3A_0] : memref<64x8192xf32, #tpu.memory_space<vmem>>, vector<64x8192xf32>
    %transpose3A = tpu.transpose %get3A_1, [1, 0] : vector<64x8192xf32> -> vector<8192x64xf32>
    %swap3A = arith.constant 0 : index
    %swap3A_2 = arith.constant 0 : index
    %swap3A_3 = vector.load %arg3[%swap3A, %swap3A_2] : memref<8192x128xf32, #tpu.memory_space<vmem>>, vector<8192x64xf32>
    tpu.vector_store %arg3[%swap3A, %swap3A_2], %transpose3A {strides = array<i32>} : memref<8192x128xf32, #tpu.memory_space<vmem>>, vector<8192x64xf32>,
    %get3A_4 = arith.constant 0 : index
    %get3A_5 = arith.constant 0 : index
    %get3A_6 = vector.load %arg2[%get3A_4, %get3A_5] : memref<64x8192xf32, #tpu.memory_space<vmem>>, vector<64x8192xf32>
    %transpose3A_7 = tpu.transpose %get3A_6, [1, 0] : vector<64x8192xf32> -> vector<8192x64xf32>
    %swap3A_8 = arith.constant 0 : index
    %swap3A_9 = arith.constant 64 : index
    %swap3A_10 = vector.load %arg3[%swap3A_8, %swap3A_9] : memref<8192x128xf32, #tpu.memory_space<vmem>>, vector<8192x64xf32>
    tpu.vector_store %arg3[%swap3A_8, %swap3A_9], %transpose3A_7 {strides = array<i32>} : memref<8192x128xf32, #tpu.memory_space<vmem>>, vector<8192x64xf32>,
    return
  }
  func.func @transform_0(%arg0: i32) -> (i32, i32) {
    %c0_i32 = arith.constant 0 : i32
    %c0_i32_0 = arith.constant 0 : i32
    return %c0_i32, %arg0 : i32, i32
  }
  func.func @transform_1(%arg0: i32) -> (i32, i32) {
    %add3A = arith.constant 64 : i32
    %add3A_0 = arith.addi %add3A, %arg0 : i32
    %min3A = arith.constant 122 : i32
    %min3A_1 = arith.minsi %add3A_0, %min3A : i32
    %c0_i32 = arith.constant 0 : i32
    %c0_i32_2 = arith.constant 0 : i32
    return %c0_i32, %min3A_1 : i32, i32
  }
  func.func @transform_2(%arg0: i32) -> (i32, i32) {
    %c0_i32 = arith.constant 0 : i32
    %c0_i32_0 = arith.constant 0 : i32
    return %arg0, %c0_i32 : i32, i32
  }
}

module attributes {stable_mosaic.version = 14 : i64} {
  func.func @_linear_body(%arg0: i32, %arg1: memref<512x64xf32, #tpu.memory_space<vmem>>, %arg2: memref<512x1xi32, #tpu.memory_space<vmem>>, %arg3: memref<64x512xf32, #tpu.memory_space<vmem>>, %arg4: memref<1x512xf32, #tpu.memory_space<vmem>>, %arg5: memref<512x512xf32, #tpu.memory_space<vmem>>) attributes {dimension_semantics = [#tpu.dimension_semantics<arbitrary>], iteration_bounds = array<i64: 8>, scalar_prefetch = 0 : i64, scratch_operands = 0 : i64, tpu.core_type = #tpu.core_type<tc>, window_params = [{transform_indices = @transform_0, window_bounds = array<i64: 512, 64>}, {transform_indices = @transform_1, window_bounds = array<i64: 512, 1>}, {pipeline_mode = #tpu.pipeline_mode<synchronous>, transform_indices = @transform_2, window_bounds = array<i64: 64, 512>}, {pipeline_mode = #tpu.pipeline_mode<synchronous>, transform_indices = @transform_3, window_bounds = array<i64: 1, 512>}, {transform_indices = @transform_4, window_bounds = array<i64: 512, 512>}]} {
    %get3A = arith.constant 0 : index
    %get3A_0 = arith.constant 0 : index
    %get3A_1 = vector.load %arg2[%get3A, %get3A_0] : memref<512x1xi32, #tpu.memory_space<vmem>>, vector<512x1xi32>
    %max3A = arith.constant 1 : i32
    %max3A_2 = vector.broadcast %max3A : i32 to vector<512x1xi32>
    %max3A_3 = arith.maxsi %get3A_1, %max3A_2 : vector<512x1xi32>
    %convert_element_type3A = arith.sitofp %max3A_3 : vector<512x1xi32> to vector<512x1xf32>
    %div3A = arith.constant 1.000000e+00 : f32
    %div3A_4 = vector.broadcast %div3A : f32 to vector<512x1xf32>
    %div3A_5 = arith.divf %div3A_4, %convert_element_type3A : vector<512x1xf32>
    %get3A_6 = arith.constant 0 : index
    %get3A_7 = arith.constant 0 : index
    %get3A_8 = vector.load %arg1[%get3A_6, %get3A_7] : memref<512x64xf32, #tpu.memory_space<vmem>>, vector<512x64xf32>
    %mul3A = vector.broadcast %div3A_5 : vector<512x1xf32> to vector<512x64xf32>
    %mul3A_9 = arith.mulf %get3A_8, %mul3A : vector<512x64xf32>
    %get3A_10 = arith.constant 0 : index
    %get3A_11 = arith.constant 0 : index
    %get3A_12 = vector.load %arg3[%get3A_10, %get3A_11] : memref<64x512xf32, #tpu.memory_space<vmem>>, vector<64x512xf32>
    %dot_general3A = arith.constant dense<0.000000e+00> : vector<512x512xf32>
    %dot_general3A_13 = tpu.matmul %mul3A_9, %get3A_12, %dot_general3A {dimension_numbers = #tpu.dot_dimension_numbers<[1], [0], [0], [1], [0, 0, 1, 1], [], []>, transpose_lhs_hint = false} : vector<512x64xf32>, vector<64x512xf32>, vector<512x512xf32> -> vector<512x512xf32>
    %get3A_14 = arith.constant 0 : index
    %get3A_15 = arith.constant 0 : index
    %get3A_16 = vector.load %arg4[%get3A_14, %get3A_15] : memref<1x512xf32, #tpu.memory_space<vmem>>, vector<1x512xf32>
    %add3A = vector.broadcast %get3A_16 : vector<1x512xf32> to vector<512x512xf32>
    %add3A_17 = arith.addf %dot_general3A_13, %add3A : vector<512x512xf32>
    %swap3A = arith.constant 0 : index
    %swap3A_18 = arith.constant 0 : index
    %swap3A_19 = vector.load %arg5[%swap3A, %swap3A_18] : memref<512x512xf32, #tpu.memory_space<vmem>>, vector<512x512xf32>
    tpu.vector_store %arg5[%swap3A, %swap3A_18], %add3A_17 {strides = array<i32>} : memref<512x512xf32, #tpu.memory_space<vmem>>, vector<512x512xf32>,
    return
  }
  func.func @transform_0(%arg0: i32) -> (i32, i32) {
    %c0_i32 = arith.constant 0 : i32
    %c0_i32_0 = arith.constant 0 : i32
    return %arg0, %c0_i32 : i32, i32
  }
  func.func @transform_1(%arg0: i32) -> (i32, i32) {
    %c0_i32 = arith.constant 0 : i32
    %c0_i32_0 = arith.constant 0 : i32
    return %arg0, %c0_i32 : i32, i32
  }
  func.func @transform_2(%arg0: i32) -> (i32, i32) {
    %c0_i32 = arith.constant 0 : i32
    %c0_i32_0 = arith.constant 0 : i32
    %c0_i32_1 = arith.constant 0 : i32
    return %c0_i32, %c0_i32_0 : i32, i32
  }
  func.func @transform_3(%arg0: i32) -> (i32, i32) {
    %c0_i32 = arith.constant 0 : i32
    %c0_i32_0 = arith.constant 0 : i32
    %c0_i32_1 = arith.constant 0 : i32
    return %c0_i32, %c0_i32_0 : i32, i32
  }
  func.func @transform_4(%arg0: i32) -> (i32, i32) {
    %c0_i32 = arith.constant 0 : i32
    %c0_i32_0 = arith.constant 0 : i32
    return %arg0, %c0_i32 : i32, i32
  }
}

</mosaic_0001>

<sc_bundles>
// kernel: kernel.5.cloned.1.call-start
scs
__scs_entry_jumppad:
0x0: {  	(pc) =	sbr.rel $0x88, $3  }
0x1: {  	(tag) =	ssettag $0x0;
	lr =	simm.s32 $0x1  }
0x2: {  	[smem:$0x3F9C] =	sst lr;
	_ =	strace $0xD0000000  }
0x3: {  	_ = 	snop  }
0x4: {  	_ = 	snop  }
0x5: {  	_ = 	snop  }
0x6: {  	_ = 	snop  }
0x7: {  	_ = 	snop  }
__scs_overlays_trampoline_lowered:
0x8: {  	[smem:$0x3FAB] =	sst s0  }
0x9: {  	[smem:$0x3FAC] =	sst s1  }
0xa: {  	[smem:$0x3FAD] =	sst s2  }
0xb: {  	[smem:$0x3FAE] =	sst s3  }
0xc: {  	[smem:$0x3FAF] =	sst s4  }
0xd: {  	[smem:$0x3FB0] =	sst s5  }
0xe: {  	[smem:$0x3FB1] =	sst s6  }
0xf: {  	[smem:$0x3FB2] =	sst s7  }
0x10: {  	[smem:$0x3FB3] =	sst s8  }
0x11: {  	[smem:$0x3FB4] =	sst s9;
	s0 =	simm.s32 @!p0 $0x0  }
0x12: {  	s1 =	sld [smem:$0x3F9A];
	s0 =	simm.s32 @p0 $0x1  }
0x13: {  	[smem:$0x3FB5] =	sst s0;
	s0 =	simm.s32 @!p1 $0x0  }
0x14: {  	s2 =	sld [smem:$0x3F99];
	s0 =	simm.s32 @p1 $0x1  }
0x15: {  	[smem:$0x3FB6] =	sst s0;
	s0 =	simm.s32 @!p2 $0x0  }
0x16: {  	s3 =	sld [smem:$0x3FDB];
	s0 =	simm.s32 @p2 $0x1  }
0x17: {  	s4 =	simm.s32 $0x1BF5;
	[smem:$0x3FB8] =	sst s0  }
0x18: {  	s0 =	sld [smem:$0x3F9B];
	_ =	swait.ge [sflag:s4], $0x0  }
0x19: {  	s7 =	sld [smem:$0x3F9C]  }
0x1a: {  	s8 =	sadd.s32 $0xFFFFE003, lr  }
0x1b: {  	s9 =	sadd.s32 $0xFFFFFEF7, lr;
	s5 =	simm.s32 $0xFFFFFFFF;
	p2 =	slt.u32 s8, $0xFFFFF086  }
0x1c: {  	p1 =	slt.u32 s9, $0xF7A;
	s5 =	simm.s32 @!p2 $0x0  }
0x1d: {  	s5 =	simm.s32 @p1 $0x1;
	p0 =	seq.s32 s7, s2  }
0x1e: {  	s7 =	smul.u32 @!p0 $0xF7A, s2;
	p2 =	seq.s32 @!p0 s5, $0x0  }
0x1f: {  	s9 =	smul.u32 $0xF7A, s1;
	s8 =	simm.s32 @!p0 $0x1BF5;
	p2 =	por !p2, p0  }
0x20: {  	[sflag:s8] =	ssyncset.s32 @!p0 $0xFFFFF086;
	s6 =	sadd.s32 @!p0 s3, s7;
	s7 =	simm.s32 @!p0 $0x108  }
0x21: {  	s3 =	sadd.s32 s3, s9;
	s6 =	sadd.s32 @!p0 $0x88, s6;
	s7 =	simm.s32 @p2 $0x1082  }
0x22: {  	[simem:s7], [sflag:s8] =	dma.local @!p0 [hbm:s6], $0xF7A  }
0x23: {  	s9 =	sor.u32 $0xD0000000, s2;
	s6 =	simm.s32 $0x108;
	_ =	swait.ge @!p0 [sflag:s8], $0x0  }
0x24: {  	s3 =	sadd.s32 $0x88, s3;
	s6 =	simm.s32 @!p1 $0x1082;
	[sflag:s4] =	ssyncset.s32 $0xFFFFF086  }
0x25: {  	[simem:s6], [sflag:s4] =	dma.local [hbm:s3], $0xF7A  }
0x26: {  	[smem:$0x3F9C] =	sst s1;
	(tag) =	ssettag s2;
	_ =	strace s9  }
0x27: {  	s1 =	sld [smem:$0x3FAC]  }
0x28: {  	s2 =	sld [smem:$0x3FAD]  }
0x29: {  	s4 =	sld [smem:$0x3FAF]  }
0x2a: {  	p0 =	seq.s32 s5, $0x0;
	s5 =	sld [smem:$0x3FB0]  }
0x2b: {  	s6 =	sld [smem:$0x3FB1]  }
0x2c: {  	s7 =	sld [smem:$0x3FB2]  }
0x2d: {  	s3 =	simm.s32 $0x108;
	s8 =	sld [smem:$0x3FB3]  }
0x2e: {  	s3 =	simm.s32 @!p0 $0x1082;
	s9 =	sld [smem:$0x3FB4]  }
0x2f: {  	lr =	sadd.s32 s0, s3;
	s0 =	sld [smem:$0x3FAB]  }
0x30: {  	s3 =	sld [smem:$0x3FAE]  }
0x31: {  	[smem:$0x3FB7] =	sst s10  }
0x32: {  	s10 =	sld [smem:$0x3FB5];
	_ =	sdelay $0x3  }
0x33: {  	p0 =	seq.s32 s10, $0x1;
	s10 =	sld [smem:$0x3FB7];
	_ =	sdelay $0x3  }
0x34: {  	[smem:$0x3FB7] =	sst s10  }
0x35: {  	s10 =	sld [smem:$0x3FB6];
	_ =	sdelay $0x3  }
0x36: {  	p1 =	seq.s32 s10, $0x1;
	s10 =	sld [smem:$0x3FB7];
	_ =	sdelay $0x3  }
0x37: {  	[smem:$0x3FB7] =	sst s10  }
0x38: {  	s10 =	sld [smem:$0x3FB8]  }
0x39: {  	_ = 	snop;
	(pc) =	sbr.ind lr, $3  }
0x3a: {  	_ = 	snop  }
0x3b: {  	_ = 	snop  }
0x3c: {  	p2 =	seq.s32 s10, $0x1;
	s10 =	sld [smem:$0x3FB7]  }
0x3d: {  	_ =	shalt  }
0x3e: {  	_ =	shalt  }
0x3f: {  	_ =	shalt  }
0x40: {  	_ =	shalt  }
0x41: {  	_ =	shalt  }
0x42: {  	_ =	shalt  }
0x43: {  	_ =	shalt  }
0x44: {  	_ =	shalt  }
0x45: {  	_ =	shalt  }
0x46: {  	_ =	shalt  }
0x47: {  	_ =	shalt  }
0x48: {  	_ =	shalt  }
0x49: {  	_ =	shalt  }
0x4a: {  	_ =	shalt  }
0x4b: {  	_ =	shalt  }
0x4c: {  	_ =	shalt  }
0x4d: {  	_ =	shalt  }
0x4e: {  	_ =	shalt  }
0x4f: {  	_ =	shalt  }
0x50: {  	_ =	shalt  }
0x51: {  	_ =	shalt  }
0x52: {  	_ =	shalt  }
0x53: {  	_ =	shalt  }
0x54: {  	_ =	shalt  }
0x55: {  	_ =	shalt  }
0x56: {  	_ =	shalt  }
0x57: {  	_ =	shalt  }
0x58: {  	_ =	shalt  }
0x59: {  	_ =	shalt  }
0x5a: {  	_ =	shalt  }
0x5b: {  	_ =	shalt  }
0x5c: {  	_ =	shalt  }
0x5d: {  	_ =	shalt  }
0x5e: {  	_ =	shalt  }
0x5f: {  	_ =	shalt  }
0x60: {  	_ =	shalt  }
0x61: {  	_ =	shalt  }
0x62: {  	_ =	shalt  }
0x63: {  	_ =	shalt  }
0x64: {  	_ =	shalt  }
0x65: {  	_ =	shalt  }
0x66: {  	_ =	shalt  }
0x67: {  	_ =	shalt  }
0x68: {  	_ =	shalt  }
0x69: {  	_ =	shalt  }
0x6a: {  	_ =	shalt  }
0x6b: {  	_ =	shalt  }
0x6c: {  	_ =	shalt  }
0x6d: {  	_ =	shalt  }
0x6e: {  	_ =	shalt  }
0x6f: {  	_ =	shalt  }
0x70: {  	_ =	shalt  }
0x71: {  	_ =	shalt  }
0x72: {  	_ =	shalt  }
0x73: {  	_ =	shalt  }
0x74: {  	_ =	shalt  }
0x75: {  	_ =	shalt  }
0x76: {  	_ =	shalt  }
0x77: {  	_ =	shalt  }
0x78: {  	_ =	shalt  }
0x79: {  	_ =	shalt  }
0x7a: {  	_ =	shalt  }
0x7b: {  	_ =	shalt  }
0x7c: {  	_ =	shalt  }
0x7d: {  	_ =	shalt  }
0x7e: {  	_ =	shalt  }
0x7f: {  	_ =	shalt  }
0x80: {  	_ =	shalt  }
0x81: {  	_ =	shalt  }
0x82: {  	_ =	shalt  }
0x83: {  	_ =	shalt  }
0x84: {  	_ =	shalt  }
0x85: {  	_ =	shalt  }
0x86: {  	_ =	shalt  }
0x87: {  	_ =	shalt  }
.Lfunc_end0:
.L_simem_size_0:
called_computation_lowered:
.L_overlay_start_0:
0x88: {  	s2 =	sld [smem:$0x3FD9]  }
0x89: {  	s3 =	sld [smem:$0x3FFE];
	_ =	sdelay $0x1  }
0x8a: {  	s1 =	srdreg.scid  }
0x8b: {  	s0 =	sand.u32 $0x1, s1  }
0x8c: {  	s17 =	sshll.u32 s0, $0xA;
	s2 =	sadd.s32 s3, s2  }
0x8d: {  	s2 =	sadd.s32 s2, s17  }
0x8e: {  	[smem:$0x3FC3] =	sst s2  }
0x8f: {  	_ = 	snop  }
0x90: {  	s2 =	sld [smem:$0x3FD0];
	(tm) =	ssettm $0x1  }
0x91: {  	s18 =	sld [smem:$0x3FFB];
	_ =	sdelay $0x3  }
0x92: {  	_ =	strace s18  }
0x93: {  	s3 =	sld [smem:$0x3FFC];
	_ =	sdelay $0x3  }
0x94: {  	_ =	strace s3  }
0x95: {  	s3 =	sld [smem:$0x3FFD];
	_ =	sdelay $0x3  }
0x96: {  	_ =	strace s3  }
0x97: {  	_ =	strace $0x8FFFFFFF  }
0x98: {  	s19 =	sld [smem:$0x3FDB];
	_ =	sdelay $0x1  }
0x99: {  	s4 =	simm.s32 $_scs_section_size  }
0x9a: {  	s5 =	simm.s32 $_size__tile_overlayer_lowered;
	s6 =	simm.s32 $_tile_overlayer_lowered  }
0x9b: {  	s22 =	simm.s32 $0x1BFF;
	s21 =	sshll.u32 s6, $0x1;
	s3 =	sadd.s32 s4, s19  }
0x9c: {  	s7 =	simm.s32 $0x0;
	s20 =	sshll.u32 s5, $0x1;
	s5 =	sadd.s32 s21, s3  }
0x9d: {  	[timem:s7], [sflag:s22] =	dma.local [hbm:s5], s20  }
0x9e: {  	_ =	swait.ge [sflag:s22], s20  }
0x9f: {  	s4 =	ssub.s32 $0x0, s20;
	[sflag:s22] =	ssyncset.done $0x0  }
0xa0: {  	[sflag:s22] =	ssyncadd.s32 s4;
	_ =	sdelay $0x1  }
0xa1: {  	s23 =	simm.s32 $0x1B8B  }
0xa2: {  	_ =	swait.ge [sflag:s23], $0x1  }
0xa3: {  	[sflag:s23] =	ssyncset.done $0x0  }
0xa4: {  	s25 =	simm.s32 $0x1B8E;
	s24 =	sld [smem:$0x3FFE];
	[sflag:s23] =	ssyncadd.s32 $0xFFFFFFFF  }
0xa5: {  	s26 =	simm.s32 $execute0_lowered;
	[smem:$0x3FD2] =	sst s25  }
0xa6: {  	s5 =	sshll.u32 s26, $0x1;
	_ =	strace $0x80000046;
	[dreg:$0x1] =	wrdreg $0xFFFFFFFF  }
0xa7: {  	s28 =	simm.s32 $_size_execute0_lowered;
	s3 =	sadd.s32 s3, s5;
	[dreg:$0x0] =	wrdreg $0x0  }
0xa8: {  	s5 =	sshll.u32 s28, $0x1;
	[dreg:$0x2] =	wrdreg s3  }
0xa9: {  	[dreg:$0x3] =	wrdreg s5  }
0xaa: {  	[dreg:$0x4] =	wrdreg $0xC0  }
0xab: {  	_ =	task [dreg:s7], $0x5FFFF  }
0xac: {  	[dreg:$0x1] =	wrdreg $0xFFFFFFFF  }
0xad: {  	[dreg:$0x0] =	wrdreg $0x60  }
0xae: {  	[dreg:$0x2] =	wrdreg s2  }
0xaf: {  	[dreg:$0x3] =	wrdreg s24  }
0xb0: {  	[dreg:$0x4] =	wrdreg $0x9  }
0xb1: {  	_ =	task.clear_ibuf [dreg:s7], $0x5FFFF;
	_ =	strace $0x90000046  }
0xb2: {  	s29 =	simm.s32 $0x9;
	_ =	strace $0x80000048  }
0xb3: {  	_ =	swait.ge [sflag:s29], $0x1  }
0xb4: {  	[sflag:s29] =	ssyncadd.s32 $0xFFFFFFFF  }
0xb5: {  	_ =	strace $0x90000048  }
0xb6: {  	_ =	sfence  }
0xb7: {  	s30 =	sld [smem:$0x0];
	_ =	sdelay $0x2  }
0xb8: {  	s31 =	sshll.u32 s1, $0xD;
	s1 =	sshrl.u32 s1, $0x2  }
0xb9: {  	s3 =	sand.u32 $0x4000, s31;
	s1 =	sadd.s32 s1, s30  }
0xba: {  	s0 =	sor.u32 s3, s0;
	s1 =	sshll.u32 s1, $0x11  }
0xbb: {  	s0 =	sor.u32 s1, s0  }
0xbc: {  	s0 =	sadd.s32 $0x8F2B, s0  }
0xbd: {  	[sflag:s0] =	ssyncadd.remote.s32 $0x1  }
0xbe: {  	_ =	sfence.sel $0xFFFF  }
0xbf: {  	[dreg:$0x0] =	wrdreg $0xFFFFFFFF;
	(pc) =	sbr.abs _section_cstart, $3  }
0xc0: {  	[dreg:$0x1] =	wrdreg $0xFFFFFFFF  }
0xc1: {  	_ =	task.clear_ibuf [dreg:s7], $0x2FFFF;
	_ =	strace $0x9FFFFFFF  }
0xc2: {  	(tm) =	ssettm $0x7FFFFFFF  }
0xc3: {  	_ =	shalt  }
tec
execute0_lowered:
.L_overlay_start_1:
0x0: {  	(tag) =	ssettag $0x1  }
0x1: {  	s4 =	rddreg [dreg:$0x0]  }
0x2: {  	s5 =	rddreg [dreg:$0x1]  }
0x3: {  	s0 =	rddreg [dreg:$0x2];
	s2 =	simm.s32 $0x0;
	s3 =	srdreg.scid  }
0x4: {  	s1 =	stileid.u32;
	s9 =	simm.s32 $0x6400;
	s10 =	simm.s32 $0x48  }
0x5: {  	s11 =	simm.s32 $0x8400;
	s12 =	simm.s32 $0x9600;
	s13 =	simm.s32 $0xB600  }
0x6: {  	s14 =	simm.s32 $0x1;
	s15 =	simm.s32 $0x2;
	s16 =	simm.s32 $0xC800  }
0x7: {  	[smem:$0x7FF] =	sst s2;
	s3 =	sand.u32 $0x1, s3;
	s6 =	sshll.u32 s1, $0x1  }
0x8: {  	s17 =	simm.s32 $0x0;
	_ =	strace $0x80000047;
	s6 =	sor.u32 s3, s6  }
0x9: {  	s8 =	ssub.s32 $0x2, s3;
	s7 =	sshll.u32 s6, $0xA;
	s6 =	smul.u32 $0xC80, s6  }
0xa: {  	s3 =	sadd.s32 $0xA00, s5;
	s31 =	sshrl.u32 s8, $0x1;
	s5 =	sadd.s32 s7, s5  }
0xb: {  	s7 =	ssub.s32 s8, s31;
	s8 =	simm.s32 $0x80;
	s4 =	sadd.s32 s4, s6  }
0xc: {  	s5 =	sadd.s32 $0x800A00, s5;
	s6 =	smax.u32 s7, $0x1;
	s7 =	simm.s32 $0x3  }
.LBB2_1:
0xd: {  	[tilespmem:s2], [sflag:$0x3] =	stream.linear.gather [hbm4b:s4+s2], $0x6400, $0x38;
	[tilespmem:$0xE800] =	vst v63  }
0xe: {  	_ =	swait.ge [sflag:s7], $0x6400  }
0xf: {  	[sflag:s7] =	ssyncset.done $0x0  }
0x10: {  	[sflag:s7] =	ssyncadd.s32 $0xFFFF9C00  }
0x11: {  	[tilespmem:s9], [sflag:$0x1] =	stream.indirect.gather [hbm4b:s3+s8], $0x40, s2, s8, $0xb8;
	[tilespmem:$0xE800] =	vst v63  }
0x12: {  	s18 =	simm.s32 $0x0  }
0x13: {  	[tilespmem:s11], [sflag:$0x1] =	stream.indirect.gather [hbm4b:s3+s10], $0x40, s8, s10, $0xb8;
	[tilespmem:$0xE800] =	vst v63  }
.LBB2_2:
0x14: {  	s19 =	sshllo.u32 s18, $0x1  }
0x15: {  	s20 =	smul.u32 $0x320, s19;
	_ =	sdelay $0x1  }
0x16: {  	s20 =	sshra.s32 s20, $0x2  }
0x17: {  	[tilespmem:s12], [sflag:$0x2] =	stream.indirect.gather [hbm4b:s3+s8], $0x40, s20, s8, $0xb8;
	[tilespmem:$0xE800] =	vst v63  }
0x18: {  	s20 =	sadd.s32 $0x80, s20  }
0x19: {  	[tilespmem:s13], [sflag:$0x2] =	stream.indirect.gather [hbm4b:s3+s10], $0x40, s20, s10, $0xb8;
	[tilespmem:$0xE800] =	vst v63  }
0x1a: {  	_ =	swait.ge [sflag:s14], $0x2000  }
0x1b: {  	[sflag:s14] =	ssyncset.done $0x0  }
0x1c: {  	[sflag:s14] =	ssyncadd.s32 $0xFFFFE000  }
0x1d: {  	_ =	swait.ge [sflag:s14], $0x1200  }
0x1e: {  	[sflag:s14] =	ssyncset.done $0x0  }
0x1f: {  	s20 =	simm.s32 $0x0;
	[sflag:s14] =	ssyncadd.s32 $0xFFFFEE00  }
0x20: {  	v0 =	vld [tilespmem:s20+$0x65C0]  }
0x21: {  	v1 =	vld [tilespmem:s20+$0x65D0]  }
0x22: {  	v2 =	vld [tilespmem:s20+$0x6580]  }
0x23: {  	v3 =	vld [tilespmem:s20+$0x6590]  }
0x24: {  	v4 =	vld [tilespmem:s20+$0x6540]  }
0x25: {  	v5 =	vld [tilespmem:s20+$0x6550]  }
0x26: {  	v6 =	vld [tilespmem:s20+$0x6500]  }
0x27: {  	v7 =	vld [tilespmem:s20+$0x6510]  }
0x28: {  	v9 =	vld [tilespmem:s20+$0x64C0]  }
0x29: {  	v8 =	vld [tilespmem:s20+$0x64D0]  }
0x2a: {  	v11 =	vld [tilespmem:s20+$0x6480]  }
0x2b: {  	v10 =	vld [tilespmem:s20+$0x6490]  }
0x2c: {  	v17 =	vld [tilespmem:s20+$0x6440]  }
0x2d: {  	v16 =	vld [tilespmem:s20+$0x6450]  }
0x2e: {  	v19 =	vld [tilespmem:s20+$0x6400]  }
0x2f: {  	v12 =	vimm.f32 $0.0e+00;
	v20 =	vld [tilespmem:s20+$0x6410]  }
0x30: {  	s21 =	simm.s32 $0x800;
	v15 =	vimm.f32 $0.0e+00;
	v14 =	vimm.f32 $0.0e+00;
	v13 =	vimm.f32 $0.0e+00;
	v18 =	vld [tilespmem:s20+$0x6420]  }
.LBB2_3:
0x31: {  	p0 =	sne.s32 s21, $0xC000;
	v21 =	vld [tilespmem:s20+$0x6430]  }
0x32: {  	v22 =	vld [tilespmem:s20+$0x6460]  }
0x33: {  	v23 =	vld [tilespmem:s20+$0x6470]  }
0x34: {  	v24 =	vld [tilespmem:s20+$0x64A0]  }
0x35: {  	v12 =	vadd.f32 v19, v12;
	v15 =	vadd.f32 v20, v15;
	v19 =	vld [tilespmem:s20+$0x64B0]  }
0x36: {  	v14 =	vadd.f32 v18, v14;
	v13 =	vadd.f32 v21, v13;
	v18 =	vld [tilespmem:s20+$0x64E0]  }
0x37: {  	v12 =	vadd.f32 v17, v12;
	v15 =	vadd.f32 v16, v15;
	v16 =	vld [tilespmem:s20+$0x64F0]  }
0x38: {  	v14 =	vadd.f32 v22, v14;
	v13 =	vadd.f32 v23, v13;
	v17 =	vld [tilespmem:s20+$0x6520]  }
0x39: {  	v11 =	vadd.f32 v11, v12;
	v10 =	vadd.f32 v10, v15;
	v12 =	vld [tilespmem:s20+$0x6530]  }
0x3a: {  	v14 =	vadd.f32 v24, v14;
	v13 =	vadd.f32 v19, v13;
	v15 =	vld [tilespmem:s20+$0x6560]  }
0x3b: {  	v9 =	vadd.f32 v9, v11;
	v8 =	vadd.f32 v8, v10;
	v10 =	vld [tilespmem:s20+$0x6570]  }
0x3c: {  	v11 =	vadd.f32 v18, v14;
	v13 =	vadd.f32 v16, v13;
	v14 =	vld [tilespmem:s20+$0x65A0]  }
0x3d: {  	v6 =	vadd.f32 v6, v9;
	v7 =	vadd.f32 v7, v8;
	v8 =	vld [tilespmem:s20+$0x65B0]  }
0x3e: {  	v9 =	vadd.f32 v17, v11;
	v11 =	vadd.f32 v12, v13;
	v13 =	vld [tilespmem:s20+$0x65E0]  }
0x3f: {  	v4 =	vadd.f32 v4, v6;
	v5 =	vadd.f32 v5, v7;
	v6 =	vld [tilespmem:s20+$0x65F0];
	s20 =	sshra.s32 s21, $0x2  }
0x40: {  	v9 =	vadd.f32 v15, v9;
	v7 =	vld [tilespmem:s20+$0x65C0];
	v10 =	vadd.f32 v10, v11  }
0x41: {  	v4 =	vadd.f32 v2, v4;
	v5 =	vadd.f32 v3, v5;
	v11 =	vld [tilespmem:s20+$0x65D0]  }
0x42: {  	v9 =	vadd.f32 v14, v9;
	v2 =	vld [tilespmem:s20+$0x6580];
	v8 =	vadd.f32 v8, v10  }
0x43: {  	v12 =	vadd.f32 v0, v4;
	v15 =	vadd.f32 v1, v5;
	v3 =	vld [tilespmem:s20+$0x6590]  }
0x44: {  	v14 =	vadd.f32 v13, v9;
	v4 =	vld [tilespmem:s20+$0x6540];
	v13 =	vadd.f32 v6, v8  }
0x45: {  	v5 =	vld [tilespmem:s20+$0x6550];
	v0 =	vmov v7  }
0x46: {  	v6 =	vld [tilespmem:s20+$0x6500];
	v1 =	vmov v11  }
0x47: {  	v7 =	vld [tilespmem:s20+$0x6510]  }
0x48: {  	v9 =	vld [tilespmem:s20+$0x64C0]  }
0x49: {  	v8 =	vld [tilespmem:s20+$0x64D0]  }
0x4a: {  	v11 =	vld [tilespmem:s20+$0x6480]  }
0x4b: {  	v10 =	vld [tilespmem:s20+$0x6490]  }
.Ltmp0:
0x4c: {  	v17 =	vld [tilespmem:s20+$0x6440];
	(pc) =	sbr.rel @p0 .LBB2_3-.Ltmp0, $4  }
0x4d: {  	v16 =	vld [tilespmem:s20+$0x6450]  }
0x4e: {  	v19 =	vld [tilespmem:s20+$0x6400]  }
0x4f: {  	v20 =	vld [tilespmem:s20+$0x6410]  }
0x50: {  	s21 =	sadd.s32 $0x800, s21;
	v18 =	vld [tilespmem:s20+$0x6420]  }
0x51: {  	v21 =	vld [tilespmem:s20+$0x6430]  }
0x52: {  	v22 =	vld [tilespmem:s20+$0x6460]  }
0x53: {  	v23 =	vld [tilespmem:s20+$0x6470];
	v12 =	vadd.f32 v19, v12  }
0x54: {  	v19 =	vld [tilespmem:s20+$0x64A0];
	v15 =	vadd.f32 v20, v15  }
0x55: {  	v20 =	vld [tilespmem:s20+$0x64B0];
	v14 =	vadd.f32 v18, v14;
	v12 =	vadd.f32 v17, v12  }
0x56: {  	v17 =	vld [tilespmem:s20+$0x64E0];
	v13 =	vadd.f32 v21, v13;
	v15 =	vadd.f32 v16, v15  }
0x57: {  	v16 =	vld [tilespmem:s20+$0x64F0];
	v14 =	vadd.f32 v22, v14;
	v11 =	vadd.f32 v11, v12  }
0x58: {  	v12 =	vadd.f32 v23, v13;
	v13 =	vld [tilespmem:s20+$0x6520];
	v10 =	vadd.f32 v10, v15  }
0x59: {  	v15 =	vld [tilespmem:s20+$0x6530];
	v14 =	vadd.f32 v19, v14;
	v9 =	vadd.f32 v9, v11  }
0x5a: {  	v11 =	vadd.f32 v20, v12;
	v12 =	vld [tilespmem:s20+$0x6560];
	v8 =	vadd.f32 v8, v10  }
0x5b: {  	v10 =	vld [tilespmem:s20+$0x6570];
	v14 =	vadd.f32 v17, v14;
	v6 =	vadd.f32 v6, v9  }
0x5c: {  	v9 =	vadd.f32 v16, v11;
	v11 =	vld [tilespmem:s20+$0x65A0];
	v7 =	vadd.f32 v7, v8  }
0x5d: {  	v8 =	vld [tilespmem:s20+$0x65B0];
	v13 =	vadd.f32 v13, v14;
	v4 =	vadd.f32 v4, v6  }
0x5e: {  	v6 =	vadd.f32 v15, v9;
	v9 =	vld [tilespmem:s20+$0x65E0];
	v5 =	vadd.f32 v5, v7  }
0x5f: {  	v7 =	vld [tilespmem:s20+$0x65F0];
	v12 =	vadd.f32 v12, v13;
	v2 =	vadd.f32 v2, v4  }
0x60: {  	v4 =	vadd.f32 v10, v6;
	v3 =	vadd.f32 v3, v5  }
0x61: {  	s31 =	sshll.u32 s18, $0x7;
	v5 =	vadd.f32 v11, v12;
	v0 =	vadd.f32 v0, v2  }
0x62: {  	p0 =	seq.s32 s18, $0x3F;
	s20 =	sand.u32 $0x3FFFFF80, s31;
	v2 =	vadd.f32 v8, v4;
	v1 =	vadd.f32 v1, v3  }
0x63: {  	s21 =	smul.u32 @!p0 $0x640, s18;
	v3 =	vadd.f32 v9, v5;
	[tilespmem:s20+$0xC800] =	vst v0  }
0x64: {  	v0 =	vadd.f32 v7, v2;
	[tilespmem:s20+$0xC810] =	vst v1  }
0x65: {  	s21 =	sshra.s32 @!p0 s21, $0x2;
	[tilespmem:s20+$0xC820] =	vst v3  }
0x66: {  	s22 =	simm.s32 @!p0 $0x80;
	s23 =	simm.s32 @!p0 $0x6400;
	[tilespmem:s20+$0xC830] =	vst v0;
	s20 =	sadd.s32 @!p0 $0x190, s21  }
0x67: {  	[tilespmem:s23], [sflag:$0x1] =	stream.indirect.gather @!p0 [hbm4b:s3+s22], $0x40, s20, s22, $0xb8;
	[tilespmem:$0xE800] =	vst v63  }
0x68: {  	s20 =	sadd.s32 @!p0 $0x210, s21;
	s21 =	simm.s32 @!p0 $0x48;
	s22 =	simm.s32 @!p0 $0x8400  }
0x69: {  	[tilespmem:s22], [sflag:$0x1] =	stream.indirect.gather @!p0 [hbm4b:s3+s21], $0x40, s20, s21, $0xb8;
	[tilespmem:$0xE800] =	vst v63  }
0x6a: {  	_ =	swait.ge [sflag:s15], $0x2000  }
0x6b: {  	[sflag:s15] =	ssyncset.done $0x0  }
0x6c: {  	[sflag:s15] =	ssyncadd.s32 $0xFFFFE000  }
0x6d: {  	_ =	swait.ge [sflag:s15], $0x1200  }
0x6e: {  	[sflag:s15] =	ssyncset.done $0x0  }
0x6f: {  	s20 =	simm.s32 $0x0;
	[sflag:s15] =	ssyncadd.s32 $0xFFFFEE00  }
0x70: {  	v0 =	vld [tilespmem:s20+$0x97C0]  }
0x71: {  	v1 =	vld [tilespmem:s20+$0x97D0]  }
0x72: {  	v2 =	vld [tilespmem:s20+$0x9780]  }
0x73: {  	v3 =	vld [tilespmem:s20+$0x9790]  }
0x74: {  	v4 =	vld [tilespmem:s20+$0x9740]  }
0x75: {  	v5 =	vld [tilespmem:s20+$0x9750]  }
0x76: {  	v6 =	vld [tilespmem:s20+$0x9700]  }
0x77: {  	v7 =	vld [tilespmem:s20+$0x9710]  }
0x78: {  	v9 =	vld [tilespmem:s20+$0x96C0]  }
0x79: {  	v8 =	vld [tilespmem:s20+$0x96D0]  }
0x7a: {  	v11 =	vld [tilespmem:s20+$0x9680]  }
0x7b: {  	v10 =	vld [tilespmem:s20+$0x9690]  }
0x7c: {  	v17 =	vld [tilespmem:s20+$0x9640]  }
0x7d: {  	v16 =	vld [tilespmem:s20+$0x9650]  }
0x7e: {  	v19 =	vld [tilespmem:s20+$0x9600]  }
0x7f: {  	v14 =	vimm.f32 $0.0e+00;
	v20 =	vld [tilespmem:s20+$0x9610]  }
0x80: {  	v15 =	vimm.f32 $0.0e+00;
	v13 =	vimm.f32 $0.0e+00;
	v12 =	vimm.f32 $0.0e+00;
	s21 =	simm.s32 $0x800;
	v18 =	vld [tilespmem:s20+$0x9620]  }
.LBB2_5:
0x81: {  	p0 =	sne.s32 s21, $0xC000;
	v21 =	vld [tilespmem:s20+$0x9630]  }
0x82: {  	v22 =	vld [tilespmem:s20+$0x9660]  }
0x83: {  	v23 =	vld [tilespmem:s20+$0x9670]  }
0x84: {  	v24 =	vld [tilespmem:s20+$0x96A0]  }
0x85: {  	v12 =	vadd.f32 v19, v12;
	v15 =	vadd.f32 v20, v15;
	v19 =	vld [tilespmem:s20+$0x96B0]  }
0x86: {  	v14 =	vadd.f32 v18, v14;
	v13 =	vadd.f32 v21, v13;
	v18 =	vld [tilespmem:s20+$0x96E0]  }
0x87: {  	v12 =	vadd.f32 v17, v12;
	v15 =	vadd.f32 v16, v15;
	v16 =	vld [tilespmem:s20+$0x96F0]  }
0x88: {  	v14 =	vadd.f32 v22, v14;
	v13 =	vadd.f32 v23, v13;
	v17 =	vld [tilespmem:s20+$0x9720]  }
0x89: {  	v11 =	vadd.f32 v11, v12;
	v10 =	vadd.f32 v10, v15;
	v12 =	vld [tilespmem:s20+$0x9730]  }
0x8a: {  	v14 =	vadd.f32 v24, v14;
	v13 =	vadd.f32 v19, v13;
	v15 =	vld [tilespmem:s20+$0x9760]  }
0x8b: {  	v9 =	vadd.f32 v9, v11;
	v8 =	vadd.f32 v8, v10;
	v10 =	vld [tilespmem:s20+$0x9770]  }
0x8c: {  	v11 =	vadd.f32 v18, v14;
	v13 =	vadd.f32 v16, v13;
	v14 =	vld [tilespmem:s20+$0x97A0]  }
0x8d: {  	v6 =	vadd.f32 v6, v9;
	v7 =	vadd.f32 v7, v8;
	v8 =	vld [tilespmem:s20+$0x97B0]  }
0x8e: {  	v9 =	vadd.f32 v17, v11;
	v11 =	vadd.f32 v12, v13;
	v13 =	vld [tilespmem:s20+$0x97E0]  }
0x8f: {  	v4 =	vadd.f32 v4, v6;
	v5 =	vadd.f32 v5, v7;
	v6 =	vld [tilespmem:s20+$0x97F0];
	s20 =	sshra.s32 s21, $0x2  }
0x90: {  	v9 =	vadd.f32 v15, v9;
	v7 =	vld [tilespmem:s20+$0x97C0];
	v10 =	vadd.f32 v10, v11  }
0x91: {  	v4 =	vadd.f32 v2, v4;
	v5 =	vadd.f32 v3, v5;
	v11 =	vld [tilespmem:s20+$0x97D0]  }
0x92: {  	v9 =	vadd.f32 v14, v9;
	v2 =	vld [tilespmem:s20+$0x9780];
	v8 =	vadd.f32 v8, v10  }
0x93: {  	v12 =	vadd.f32 v0, v4;
	v15 =	vadd.f32 v1, v5;
	v3 =	vld [tilespmem:s20+$0x9790]  }
0x94: {  	v14 =	vadd.f32 v13, v9;
	v4 =	vld [tilespmem:s20+$0x9740];
	v13 =	vadd.f32 v6, v8  }
0x95: {  	v5 =	vld [tilespmem:s20+$0x9750];
	v0 =	vmov v7  }
0x96: {  	v6 =	vld [tilespmem:s20+$0x9700];
	v1 =	vmov v11  }
0x97: {  	v7 =	vld [tilespmem:s20+$0x9710]  }
0x98: {  	v9 =	vld [tilespmem:s20+$0x96C0]  }
0x99: {  	v8 =	vld [tilespmem:s20+$0x96D0]  }
0x9a: {  	v11 =	vld [tilespmem:s20+$0x9680]  }
0x9b: {  	v10 =	vld [tilespmem:s20+$0x9690]  }
.Ltmp1:
0x9c: {  	v17 =	vld [tilespmem:s20+$0x9640];
	(pc) =	sbr.rel @p0 .LBB2_5-.Ltmp1, $4  }
0x9d: {  	v16 =	vld [tilespmem:s20+$0x9650]  }
0x9e: {  	v19 =	vld [tilespmem:s20+$0x9600]  }
0x9f: {  	v20 =	vld [tilespmem:s20+$0x9610]  }
0xa0: {  	s21 =	sadd.s32 $0x800, s21;
	v18 =	vld [tilespmem:s20+$0x9620]  }
0xa1: {  	v21 =	vld [tilespmem:s20+$0x9630]  }
0xa2: {  	v22 =	vld [tilespmem:s20+$0x9660]  }
0xa3: {  	v23 =	vld [tilespmem:s20+$0x9670];
	v12 =	vadd.f32 v19, v12  }
0xa4: {  	v43 =	vld [tilespmem:s20+$0x96A0];
	v15 =	vadd.f32 v20, v15  }
0xa5: {  	v44 =	vld [tilespmem:s20+$0x96B0];
	v14 =	vadd.f32 v18, v14;
	v12 =	vadd.f32 v17, v12  }
0xa6: {  	v45 =	vld [tilespmem:s20+$0x96E0];
	v13 =	vadd.f32 v21, v13;
	v15 =	vadd.f32 v16, v15  }
0xa7: {  	v46 =	vld [tilespmem:s20+$0x96F0];
	v14 =	vadd.f32 v22, v14;
	v11 =	vadd.f32 v11, v12  }
0xa8: {  	v48 =	vld [tilespmem:s20+$0x9720];
	v47 =	vadd.f32 v23, v13;
	v10 =	vadd.f32 v10, v15  }
0xa9: {  	v49 =	vld [tilespmem:s20+$0x9730];
	v14 =	vadd.f32 v43, v14;
	v9 =	vadd.f32 v9, v11  }
0xaa: {  	v51 =	vld [tilespmem:s20+$0x9760];
	v50 =	vadd.f32 v44, v47;
	v8 =	vadd.f32 v8, v10  }
0xab: {  	v52 =	vld [tilespmem:s20+$0x9770];
	v14 =	vadd.f32 v45, v14;
	v6 =	vadd.f32 v6, v9  }
0xac: {  	v54 =	vld [tilespmem:s20+$0x97A0];
	v53 =	vadd.f32 v46, v50;
	v7 =	vadd.f32 v7, v8  }
0xad: {  	v55 =	vld [tilespmem:s20+$0x97B0];
	v13 =	vadd.f32 v48, v14;
	v4 =	vadd.f32 v4, v6  }
0xae: {  	v57 =	vld [tilespmem:s20+$0x97E0];
	v56 =	vadd.f32 v49, v53;
	v5 =	vadd.f32 v5, v7  }
0xaf: {  	v58 =	vld [tilespmem:s20+$0x97F0];
	v12 =	vadd.f32 v51, v13;
	v2 =	vadd.f32 v2, v4  }
0xb0: {  	s18 =	sadd.s32 $0x1, s18;
	v59 =	vadd.f32 v52, v56;
	v3 =	vadd.f32 v3, v5  }
0xb1: {  	s19 =	sshll.u32 s19, $0x6;
	p0 =	sne.s32 s18, $0x40;
	v60 =	vadd.f32 v54, v12;
	v0 =	vadd.f32 v0, v2  }
.Ltmp2:
0xb2: {  	s19 =	sand.u32 $0x3FFFFFC0, s19;
	v61 =	vadd.f32 v55, v59;
	v1 =	vadd.f32 v1, v3;
	(pc) =	sbr.rel @p0 .LBB2_2-.Ltmp2, $4  }
0xb3: {  	v62 =	vadd.f32 v57, v60;
	[tilespmem:s19+$0xC800] =	vst v0  }
0xb4: {  	v63 =	vadd.f32 v58, v61;
	[tilespmem:s19+$0xC810] =	vst v1  }
0xb5: {  	[tilespmem:s19+$0xC820] =	vst v62  }
0xb6: {  	[tilespmem:s19+$0xC830] =	vst v63  }
0xb7: {  	s17 =	sadd.s32 $0x1, s17  }
0xb8: {  	p0 =	sne.s32 s17, s6  }
.Ltmp3:
0xb9: {  	_ = 	snop;
	(pc) =	sbr.rel @p0 .LBB2_1-.Ltmp3, $4  }
0xba: {  	[hbm4b:s5+s2] =	stream.linear.scatter [tilespmem:s16], [sflag:$0x3], $0x2000, $0x38;
	[tilespmem:$0xE800] =	vst v63  }
0xbb: {  	_ =	swait.ge [sflag:s7], $0x2000  }
0xbc: {  	[sflag:s7] =	ssyncset.done $0x0  }
0xbd: {  	[sflag:s7] =	ssyncadd.s32 $0xFFFFE000  }
0xbe: {  	_ =	sfence.sel $0x180000  }
0xbf: {  	[bflag:$0x0] =	sbarrier.arrive $0xFFFF  }
0xc0: {  	p0 =	sne.s32 s1, $0x0;
	_ =	strace $0x90000047  }
0xc1: {  	s0 =	sadd.s32 @!p0 $0x100000, s0;
	[bflag:$0x2] =	sbarrier.arrive $0xFFFF  }
0xc2: {  	[sflag:s0] =	ssyncadd.tile.s32 @!p0 $0x1;
	_ =	shalt  }
.Lfunc_end2:
_tile_overlayer_lowered:
.L_overlay_start_2:
0xc3: {  	(tag) =	ssettag $0x2  }
0xc4: {  	s0 =	rddreg [dreg:$0x0];
	s2 =	stileid.u32  }
0xc5: {  	s1 =	rddreg [dreg:$0x1];
	p0 =	sne.s32 s2, $0x0  }
0xc6: {  	s3 =	rddreg [dreg:$0x2];
	[bflag:$0x3] =	sbarrier.arrive $0xFFFF;
	s2 =	simm.s32 @!p0 $0x1C03  }
0xc7: {  	[timem:s3], [sflag:s2] =	dma.local @!p0 [hbm:s0], s1  }
0xc8: {  	s0 =	simm.s32 @!p0 $0x3  }
0xc9: {  	_ =	swait.ge @!p0 [sflag:s0], s1  }
0xca: {  	s1 =	ssub.s32 @!p0 $0x0, s1;
	[sflag:s0] =	ssyncset.done @!p0 $0x0  }
0xcb: {  	[sflag:s0] =	ssyncadd.s32 @!p0 s1  }
0xcc: {  	[bflag:$0x3] =	sbarrier.arrive $0xFFFF  }
0xcd: {  	_ =	shalt  }

</sc_bundles>
